<compile_context>
chip_gen: v7x
topology: tpu7x:2x2x1
jax: 0.10.2.dev20260603
libtpu: 0.0.44.dev20260713+nightly
codegen_flags: <defaults>
</compile_context>

<pallas_src>
import functools

import jax
import jax.numpy as jnp
from jax import lax
from jax.experimental import pallas as pl
from jax.experimental.pallas import tpu as pltpu
from jax.experimental.pallas import tpu_sc as plsc

EMBED = 64
HIDDEN = 64

NC = 2
NS = 16
NW = NC * NS

CHUNK = 128


def _sc_gather(table, idx3, tok, nchunk, b, l):
    per_w = nchunk * CHUNK
    half = b // 2
    mesh = plsc.VectorSubcoreMesh(core_axis_name="c", subcore_axis_name="s")

    @functools.partial(
        pl.kernel,
        out_type=jax.ShapeDtypeStruct((tok // 2, 2 * EMBED), jnp.float32),
        mesh=mesh,
        scratch_types=[
            pltpu.VMEM((nchunk, CHUNK), jnp.int32),
            pltpu.VMEM((2, CHUNK, EMBED), jnp.float32),
            pltpu.SemaphoreType.DMA,
            pltpu.SemaphoreType.DMA,
        ],
        compiler_params=pltpu.CompilerParams(use_tc_tiling_on_sc=False),
    )
    def k(table_hbm, idx_hbm, out_hbm, idx_v, rows_v, gsem0, gsem1):
        wid = lax.axis_index("s") * NC + lax.axis_index("c")
        base = wid * per_w
        pltpu.sync_copy(idx_hbm.at[wid], idx_v)

        gsems = (gsem0, gsem1)
        for buf in range(2):
            pltpu.async_copy(
                table_hbm.at[idx_v.at[buf]], rows_v.at[buf], gsems[buf]
            )

        def handle(j, buf):
            pltpu.make_async_copy(
                table_hbm.at[idx_v.at[j]], rows_v.at[buf], gsems[buf]
            ).wait()
            s = base + j * CHUNK
            li = s // b
            r = s - li * b
            p = r // half
            bp = r - p * half
            pltpu.sync_copy(
                rows_v.at[buf],
                out_hbm.at[
                    pl.ds(li * half + bp, CHUNK), pl.ds(p * EMBED, EMBED)
                ],
            )

            @pl.when(j + 2 < nchunk)
            def _():
                pltpu.async_copy(
                    table_hbm.at[idx_v.at[j + 2]], rows_v.at[buf], gsems[buf]
                )

        def body(jj, _):
            handle(2 * jj, 0)
            handle(2 * jj + 1, 1)
            return 0

        lax.fori_loop(0, nchunk // 2, body, 0)

    return k(table, idx3)


def _tc_project_chunk(emb128, w2d, prev, l0, nl, ltot, b):
    half = b // 2

    def body(emb_ref, w_ref, *rest):
        out_ref = rest[-1]
        h = lax.dot_general(
            w_ref[...],
            emb_ref[...],
            dimension_numbers=(((1,), (1,)), ((), ())),
            preferred_element_type=jnp.float32,
        )
        inv_sqrt2 = 0.70710678118654752
        g = 0.5 * h * (1.0 + lax.erf(h * inv_sqrt2))
        out_ref[:, :half] = g[:HIDDEN, :]
        out_ref[:, half:] = g[HIDDEN:, :]

    in_specs = [
        pl.BlockSpec((half, 2 * EMBED), lambda li: (li, 0)),
        pl.BlockSpec((2 * EMBED, 2 * EMBED), lambda li: (0, 0)),
    ]
    args = [emb128, w2d]
    aliases = {}
    if prev is not None:
        in_specs.append(pl.BlockSpec((8, 128), lambda li: (0, 0)))
        args.append(prev)
        aliases = {2: 0}
    return pl.pallas_call(
        body,
        grid=(nl,),
        in_specs=in_specs,
        out_specs=pl.BlockSpec((HIDDEN, b), lambda li: (li + l0, 0)),
        out_shape=jax.ShapeDtypeStruct((ltot * HIDDEN, b), jnp.float32),
        input_output_aliases=aliases,
    )(*args)


def kernel(x, table, W):
    b, l = x.shape
    tok = b * l
    nchunk = tok // (NW * CHUNK)

    xt = x.T.astype(jnp.int32)
    ha = l // 2

    w2d = jnp.zeros((2 * EMBED, 2 * EMBED), jnp.float32)
    w2d = w2d.at[:HIDDEN, :EMBED].set(W).at[HIDDEN:, EMBED:].set(W)

    idx3a = xt[:ha].reshape(NW, (ha * b) // (NW * CHUNK), CHUNK)
    idx3b = xt[ha:].reshape(NW, ((l - ha) * b) // (NW * CHUNK), CHUNK)
    emb_a = _sc_gather(table, idx3a, ha * b, (ha * b) // (NW * CHUNK), b, ha)
    emb_b = _sc_gather(
        table, idx3b, (l - ha) * b, ((l - ha) * b) // (NW * CHUNK), b, l - ha
    )
    out1 = _tc_project_chunk(emb_a, w2d, None, 0, ha, l, b)
    out2d = _tc_project_chunk(emb_b, w2d, out1, ha, l - ha, l, b)
    return out2d.reshape(l, HIDDEN, b).transpose(2, 0, 1)

# --- scband reference (transcript-rebuilt; emitter-appended) ---
"""Pipeline reference for scband-language-model-14096082666129 (READ-ONLY COPY).

The authoritative reference and input builder live on the scoring server;
editing this copy changes nothing except your own understanding.
"""

import jax, jax.numpy as jnp
import numpy as np

VOCAB = 1000000
EMBED = 64
HIDDEN = 64
B = 16384
L = 50

def setup_inputs(seed: int = 0) -> dict:
    key = jax.random.key(seed)
    k1, k2, k3 = jax.random.split(key, 3)
    x = jax.random.randint(k1, (B, L), 0, VOCAB, dtype=jnp.int64)
    # learned parameters
    table = jax.random.normal(k2, (VOCAB, EMBED), dtype=jnp.float32) * 0.02
    W = jax.random.normal(k3, (HIDDEN, EMBED), dtype=jnp.float32) * (1.0 / np.sqrt(EMBED))
    return {"x": x, "table": table, "W": W}

def reference(x, table, W):
    # embedding lookup (gather)
    emb = jnp.take(table, x, axis=0)            # [B, L, EMBED]
    # linear projection, bias=False
    h = jnp.einsum('ble,he->blh', emb, W)       # [B, L, HIDDEN]
    # GELU activation (exact, matching torch nn.GELU default)
    out = jax.nn.gelu(h, approximate=False)
    return out

if __name__ == "__main__":
    import jax
    _d = setup_inputs()
    print(jax.jit(kernel)(*tuple(_d.values())))

</pallas_src>

<mosaic_0001>
#map = affine_map<(d0, d1) -> (0, 0)>
#map1 = affine_map<(d0, d1) -> (0, 0, 0)>
module attributes {stable_mosaic.version = 14 : i64} {
  func.func @k(%arg0: i32, %arg1: i32, %arg2: memref<1000000x64xf32, #tpu.memory_space<hbm>>, %arg3: memref<32x100x128xi32, #tpu.memory_space<hbm>>, %arg4: memref<204800x128xf32, #tpu.memory_space<hbm>>, %arg5: memref<100x128xi32, #tpu.memory_space<vmem>>, %arg6: memref<2x128x64xf32, #tpu.memory_space<vmem>>, %arg7: memref<!tpu.dma_semaphore, #tpu.memory_space<semaphore_mem>>, %arg8: memref<!tpu.dma_semaphore, #tpu.memory_space<semaphore_mem>>) attributes {dimension_semantics = [#tpu.dimension_semantics<core_parallel>, #tpu.dimension_semantics<subcore_parallel>], iteration_bounds = array<i64: 2, 16>, scalar_prefetch = 0 : i64, scratch_operands = 4 : i64, tpu.core_type = #tpu.core_type<sc_vector_subcore>, window_params = [{transform_indices = #map}, {transform_indices = #map1}, {transform_indices = #map}]} {
    %mul3A = arith.constant 2 : i32
    %mul3A_0 = arith.muli %arg1, %mul3A : i32
    %add3A = arith.addi %mul3A_0, %arg0 : i32
    %mul3A_1 = arith.constant 12800 : i32
    %mul3A_2 = arith.muli %add3A, %mul3A_1 : i32
    "tpu.region"() ({
      %run_scoped3A = tpu.sem_alloc : memref<!tpu.dma_semaphore, #tpu.memory_space<semaphore_mem>>
      %dma_start3A_32 = arith.constant 0 : i32
      %dma_start3A_33 = arith.constant 0 : i32
      %dma_start3A_34 = tpu.memref_slice %arg3[%add3A, %dma_start3A_32, %dma_start3A_33] : memref<32x100x128xi32, #tpu.memory_space<hbm>> -> memref<1x100x128xi32, #tpu.memory_space<hbm>>
      %dma_start3A_35 = tpu.memref_squeeze %dma_start3A_34 : memref<1x100x128xi32, #tpu.memory_space<hbm>> -> memref<100x128xi32, #tpu.memory_space<hbm>>
      %dma_start3A_36 = arith.constant 0 : i32
      %dma_start3A_37 = arith.constant 0 : i32
      %dma_start3A_38 = tpu.memref_slice %arg3[%add3A, %dma_start3A_36, %dma_start3A_37] : memref<32x100x128xi32, #tpu.memory_space<hbm>> -> memref<1x100x128xi32, #tpu.memory_space<hbm>>
      %dma_start3A_39 = tpu.memref_squeeze %dma_start3A_38 : memref<1x100x128xi32, #tpu.memory_space<hbm>> -> memref<100x128xi32, #tpu.memory_space<hbm>>
      tpu.enqueue_dma source(%dma_start3A_39 : memref<100x128xi32, #tpu.memory_space<hbm>>) target(%arg5 : memref<100x128xi32, #tpu.memory_space<vmem>>) target_semaphore(%run_scoped3A : memref<!tpu.dma_semaphore, #tpu.memory_space<semaphore_mem>>)
      %dma_wait3A = arith.constant 0 : i32
      %dma_wait3A_40 = arith.constant 0 : i32
      %dma_wait3A_41 = tpu.memref_slice %arg3[%add3A, %dma_wait3A, %dma_wait3A_40] : memref<32x100x128xi32, #tpu.memory_space<hbm>> -> memref<1x100x128xi32, #tpu.memory_space<hbm>>
      %dma_wait3A_42 = tpu.memref_squeeze %dma_wait3A_41 : memref<1x100x128xi32, #tpu.memory_space<hbm>> -> memref<100x128xi32, #tpu.memory_space<hbm>>
      %dma_wait3A_43 = arith.constant 0 : i32
      %dma_wait3A_44 = arith.constant 0 : i32
      %dma_wait3A_45 = tpu.memref_slice %arg3[%add3A, %dma_wait3A_43, %dma_wait3A_44] : memref<32x100x128xi32, #tpu.memory_space<hbm>> -> memref<1x100x128xi32, #tpu.memory_space<hbm>>
      %dma_wait3A_46 = tpu.memref_squeeze %dma_wait3A_45 : memref<1x100x128xi32, #tpu.memory_space<hbm>> -> memref<100x128xi32, #tpu.memory_space<hbm>>
      tpu.wait_dma2 semaphore(%run_scoped3A : memref<!tpu.dma_semaphore, #tpu.memory_space<semaphore_mem>>) src(%dma_wait3A_46 : memref<100x128xi32, #tpu.memory_space<hbm>>) dst(%arg5 : memref<100x128xi32, #tpu.memory_space<vmem>>)
      tpu.yield
    }) : () -> ()
    %dma_start3A = arith.constant 0 : i32
    %dma_start3A_3 = arith.constant 0 : i32
    %dma_start3A_4 = arith.constant 0 : i32
    %dma_start3A_5 = arith.constant 0 : i32
    %dma_start3A_6 = tpu.memref_slice %arg6[%dma_start3A_3, %dma_start3A_4, %dma_start3A_5] : memref<2x128x64xf32, #tpu.memory_space<vmem>> -> memref<1x128x64xf32, #tpu.memory_space<vmem>>
    %dma_start3A_7 = tpu.memref_squeeze %dma_start3A_6 : memref<1x128x64xf32, #tpu.memory_space<vmem>> -> memref<128x64xf32, #tpu.memory_space<vmem>>
    %dma_start3A_8 = arith.constant 0 : i32
    %dma_start3A_9 = tpu.memref_slice %arg5[%dma_start3A, %dma_start3A_8] : memref<100x128xi32, #tpu.memory_space<vmem>> -> memref<1x128xi32, #tpu.memory_space<vmem>>
    %dma_start3A_10 = tpu.memref_squeeze %dma_start3A_9 : memref<1x128xi32, #tpu.memory_space<vmem>> -> memref<128xi32, #tpu.memory_space<vmem>>
    %dma_start3A_11 = arith.constant 0 : i32
    %dma_start3A_12 = arith.constant 0 : i32
    %dma_start3A_13 = tpu.memref_slice %arg2[%dma_start3A_11, %dma_start3A_12] : memref<1000000x64xf32, #tpu.memory_space<hbm>> -> memref<1000000x64xf32, #tpu.memory_space<hbm>>
    tpu.enqueue_indirect_dma source(%dma_start3A_13 : memref<1000000x64xf32, #tpu.memory_space<hbm>>) target(%dma_start3A_7 : memref<128x64xf32, #tpu.memory_space<vmem>>) offsets(%dma_start3A_10 : memref<128xi32, #tpu.memory_space<vmem>>) semaphore(%arg7 : memref<!tpu.dma_semaphore, #tpu.memory_space<semaphore_mem>>)
    %dma_start3A_14 = arith.constant 1 : i32
    %dma_start3A_15 = arith.constant 1 : i32
    %dma_start3A_16 = arith.constant 0 : i32
    %dma_start3A_17 = arith.constant 0 : i32
    %dma_start3A_18 = tpu.memref_slice %arg6[%dma_start3A_15, %dma_start3A_16, %dma_start3A_17] : memref<2x128x64xf32, #tpu.memory_space<vmem>> -> memref<1x128x64xf32, #tpu.memory_space<vmem>>
    %dma_start3A_19 = tpu.memref_squeeze %dma_start3A_18 : memref<1x128x64xf32, #tpu.memory_space<vmem>> -> memref<128x64xf32, #tpu.memory_space<vmem>>
    %dma_start3A_20 = arith.constant 0 : i32
    %dma_start3A_21 = tpu.memref_slice %arg5[%dma_start3A_14, %dma_start3A_20] : memref<100x128xi32, #tpu.memory_space<vmem>> -> memref<1x128xi32, #tpu.memory_space<vmem>>
    %dma_start3A_22 = tpu.memref_squeeze %dma_start3A_21 : memref<1x128xi32, #tpu.memory_space<vmem>> -> memref<128xi32, #tpu.memory_space<vmem>>
    %dma_start3A_23 = arith.constant 0 : i32
    %dma_start3A_24 = arith.constant 0 : i32
    %dma_start3A_25 = tpu.memref_slice %arg2[%dma_start3A_23, %dma_start3A_24] : memref<1000000x64xf32, #tpu.memory_space<hbm>> -> memref<1000000x64xf32, #tpu.memory_space<hbm>>
    tpu.enqueue_indirect_dma source(%dma_start3A_25 : memref<1000000x64xf32, #tpu.memory_space<hbm>>) target(%dma_start3A_19 : memref<128x64xf32, #tpu.memory_space<vmem>>) offsets(%dma_start3A_22 : memref<128xi32, #tpu.memory_space<vmem>>) semaphore(%arg8 : memref<!tpu.dma_semaphore, #tpu.memory_space<semaphore_mem>>)
    %scan3A = arith.constant 0 : i32
    %scan3A_26 = arith.constant 0 : i32
    %scan3A_27 = arith.constant 50 : i32
    %scan3A_28 = arith.addi %scan3A_26, %scan3A_27 : i32
    %scan3A_29 = arith.constant 1 : i32
    %scan3A_30 = scf.for %scan3A_32 = %scan3A_26 to %scan3A_28 step %scan3A_29 iter_args(%scan3A_33 = %scan3A) -> (i32)  : i32 {
      %mul3A_34 = arith.constant 2 : i32
      %mul3A_35 = arith.muli %mul3A_34, %scan3A_32 : i32
      %dma_wait3A = arith.constant 0 : i32
      %dma_wait3A_36 = arith.constant 0 : i32
      %dma_wait3A_37 = arith.constant 0 : i32
      %dma_wait3A_38 = tpu.memref_slice %arg6[%dma_wait3A, %dma_wait3A_36, %dma_wait3A_37] : memref<2x128x64xf32, #tpu.memory_space<vmem>> -> memref<1x128x64xf32, #tpu.memory_space<vmem>>
      %dma_wait3A_39 = tpu.memref_squeeze %dma_wait3A_38 : memref<1x128x64xf32, #tpu.memory_space<vmem>> -> memref<128x64xf32, #tpu.memory_space<vmem>>
      %dma_wait3A_40 = arith.constant 0 : i32
      %dma_wait3A_41 = tpu.memref_slice %arg5[%mul3A_35, %dma_wait3A_40] : memref<100x128xi32, #tpu.memory_space<vmem>> -> memref<1x128xi32, #tpu.memory_space<vmem>>
      %dma_wait3A_42 = tpu.memref_squeeze %dma_wait3A_41 : memref<1x128xi32, #tpu.memory_space<vmem>> -> memref<128xi32, #tpu.memory_space<vmem>>
      %dma_wait3A_43 = arith.constant 0 : i32
      %dma_wait3A_44 = arith.constant 0 : i32
      %dma_wait3A_45 = tpu.memref_slice %arg2[%dma_wait3A_43, %dma_wait3A_44] : memref<1000000x64xf32, #tpu.memory_space<hbm>> -> memref<1000000x64xf32, #tpu.memory_space<hbm>>
      tpu.wait_indirect_dma semaphore(%arg7 : memref<!tpu.dma_semaphore, #tpu.memory_space<semaphore_mem>>) src(%dma_wait3A_45 : memref<1000000x64xf32, #tpu.memory_space<hbm>>) dst(%dma_wait3A_39 : memref<128x64xf32, #tpu.memory_space<vmem>>)
      %mul3A_46 = arith.constant 128 : i32
      %mul3A_47 = arith.muli %mul3A_35, %mul3A_46 : i32
      %add3A_48 = arith.addi %mul3A_2, %mul3A_47 : i32
      %jit3A = arith.constant 16384 : i32
      %div3A = arith.divsi %add3A_48, %jit3A : i32
      %sign3A = arith.constant 0 : i32
      %sign3A_49 = arith.cmpi sgt, %add3A_48, %sign3A : i32
      %sign3A_50 = arith.extui %sign3A_49 : i1 to i32
      %sign3A_51 = arith.constant 0 : i32
      %sign3A_52 = arith.cmpi slt, %add3A_48, %sign3A_51 : i32
      %sign3A_53 = arith.extui %sign3A_52 : i1 to i32
      %sign3A_54 = arith.subi %sign3A_50, %sign3A_53 : i32
      %sign3A_55 = arith.constant 0 : i32
      %sign3A_56 = arith.cmpi sgt, %jit3A, %sign3A_55 : i32
      %sign3A_57 = arith.extui %sign3A_56 : i1 to i32
      %sign3A_58 = arith.constant 0 : i32
      %sign3A_59 = arith.cmpi slt, %jit3A, %sign3A_58 : i32
      %sign3A_60 = arith.extui %sign3A_59 : i1 to i32
      %sign3A_61 = arith.subi %sign3A_57, %sign3A_60 : i32
      %ne3A = arith.cmpi ne, %sign3A_54, %sign3A_61 : i32
      %rem3A = arith.remsi %add3A_48, %jit3A : i32
      %ne3A_62 = arith.constant 0 : i32
      %ne3A_63 = arith.cmpi ne, %rem3A, %ne3A_62 : i32
      %and3A = arith.andi %ne3A, %ne3A_63 : i1
      %sub3A = arith.constant 1 : i32
      %sub3A_64 = arith.subi %div3A, %sub3A : i32
      %select_n3A = arith.select %and3A, %sub3A_64, %div3A : i32
      %mul3A_65 = arith.constant 16384 : i32
      %mul3A_66 = arith.muli %select_n3A, %mul3A_65 : i32
      %sub3A_67 = arith.subi %add3A_48, %mul3A_66 : i32
      %jit3A_68 = arith.constant 8192 : i32
      %div3A_69 = arith.divsi %sub3A_67, %jit3A_68 : i32
      %sign3A_70 = arith.constant 0 : i32
      %sign3A_71 = arith.cmpi sgt, %sub3A_67, %sign3A_70 : i32
      %sign3A_72 = arith.extui %sign3A_71 : i1 to i32
      %sign3A_73 = arith.constant 0 : i32
      %sign3A_74 = arith.cmpi slt, %sub3A_67, %sign3A_73 : i32
      %sign3A_75 = arith.extui %sign3A_74 : i1 to i32
      %sign3A_76 = arith.subi %sign3A_72, %sign3A_75 : i32
      %sign3A_77 = arith.constant 0 : i32
      %sign3A_78 = arith.cmpi sgt, %jit3A_68, %sign3A_77 : i32
      %sign3A_79 = arith.extui %sign3A_78 : i1 to i32
      %sign3A_80 = arith.constant 0 : i32
      %sign3A_81 = arith.cmpi slt, %jit3A_68, %sign3A_80 : i32
      %sign3A_82 = arith.extui %sign3A_81 : i1 to i32
      %sign3A_83 = arith.subi %sign3A_79, %sign3A_82 : i32
      %ne3A_84 = arith.cmpi ne, %sign3A_76, %sign3A_83 : i32
      %rem3A_85 = arith.remsi %sub3A_67, %jit3A_68 : i32
      %ne3A_86 = arith.constant 0 : i32
      %ne3A_87 = arith.cmpi ne, %rem3A_85, %ne3A_86 : i32
      %and3A_88 = arith.andi %ne3A_84, %ne3A_87 : i1
      %sub3A_89 = arith.constant 1 : i32
      %sub3A_90 = arith.subi %div3A_69, %sub3A_89 : i32
      %select_n3A_91 = arith.select %and3A_88, %sub3A_90, %div3A_69 : i32
      %mul3A_92 = arith.constant 8192 : i32
      %mul3A_93 = arith.muli %select_n3A_91, %mul3A_92 : i32
      %sub3A_94 = arith.subi %sub3A_67, %mul3A_93 : i32
      %mul3A_95 = arith.constant 8192 : i32
      %mul3A_96 = arith.muli %select_n3A, %mul3A_95 : i32
      %add3A_97 = arith.addi %mul3A_96, %sub3A_94 : i32
      %mul3A_98 = arith.constant 64 : i32
      %mul3A_99 = arith.muli %select_n3A_91, %mul3A_98 : i32
      %run_scoped3A = arith.constant 0 : i32
      "tpu.region"() ({
        %run_scoped3A_190 = tpu.sem_alloc : memref<!tpu.dma_semaphore, #tpu.memory_space<semaphore_mem>>
        %dma_start3A_191 = arith.constant 0 : i32
        %dma_start3A_192 = arith.constant 0 : i32
        %dma_start3A_193 = tpu.memref_slice %arg6[%run_scoped3A, %dma_start3A_191, %dma_start3A_192] : memref<2x128x64xf32, #tpu.memory_space<vmem>> -> memref<1x128x64xf32, #tpu.memory_space<vmem>>
        %dma_start3A_194 = tpu.memref_squeeze %dma_start3A_193 : memref<1x128x64xf32, #tpu.memory_space<vmem>> -> memref<128x64xf32, #tpu.memory_space<vmem>>
        %dma_start3A_195 = tpu.memref_slice %arg4[%add3A_97, %mul3A_99] : memref<204800x128xf32, #tpu.memory_space<hbm>> -> memref<128x64xf32, #tpu.memory_space<hbm>>
        %dma_start3A_196 = tpu.memref_slice %arg4[%add3A_97, %mul3A_99] : memref<204800x128xf32, #tpu.memory_space<hbm>> -> memref<128x64xf32, #tpu.memory_space<hbm>>
        %dma_start3A_197 = arith.constant 0 : i32
        %dma_start3A_198 = arith.constant 0 : i32
        %dma_start3A_199 = tpu.memref_slice %arg6[%run_scoped3A, %dma_start3A_197, %dma_start3A_198] : memref<2x128x64xf32, #tpu.memory_space<vmem>> -> memref<1x128x64xf32, #tpu.memory_space<vmem>>
        %dma_start3A_200 = tpu.memref_squeeze %dma_start3A_199 : memref<1x128x64xf32, #tpu.memory_space<vmem>> -> memref<128x64xf32, #tpu.memory_space<vmem>>
        tpu.enqueue_dma source(%dma_start3A_200 : memref<128x64xf32, #tpu.memory_space<vmem>>) target(%dma_start3A_196 : memref<128x64xf32, #tpu.memory_space<hbm>>) target_semaphore(%run_scoped3A_190 : memref<!tpu.dma_semaphore, #tpu.memory_space<semaphore_mem>>)
        %dma_wait3A_201 = arith.constant 0 : i32
        %dma_wait3A_202 = arith.constant 0 : i32
        %dma_wait3A_203 = tpu.memref_slice %arg6[%run_scoped3A, %dma_wait3A_201, %dma_wait3A_202] : memref<2x128x64xf32, #tpu.memory_space<vmem>> -> memref<1x128x64xf32, #tpu.memory_space<vmem>>
        %dma_wait3A_204 = tpu.memref_squeeze %dma_wait3A_203 : memref<1x128x64xf32, #tpu.memory_space<vmem>> -> memref<128x64xf32, #tpu.memory_space<vmem>>
        %dma_wait3A_205 = tpu.memref_slice %arg4[%add3A_97, %mul3A_99] : memref<204800x128xf32, #tpu.memory_space<hbm>> -> memref<128x64xf32, #tpu.memory_space<hbm>>
        %dma_wait3A_206 = tpu.memref_slice %arg4[%add3A_97, %mul3A_99] : memref<204800x128xf32, #tpu.memory_space<hbm>> -> memref<128x64xf32, #tpu.memory_space<hbm>>
        %dma_wait3A_207 = arith.constant 0 : i32
        %dma_wait3A_208 = arith.constant 0 : i32
        %dma_wait3A_209 = tpu.memref_slice %arg6[%run_scoped3A, %dma_wait3A_207, %dma_wait3A_208] : memref<2x128x64xf32, #tpu.memory_space<vmem>> -> memref<1x128x64xf32, #tpu.memory_space<vmem>>
        %dma_wait3A_210 = tpu.memref_squeeze %dma_wait3A_209 : memref<1x128x64xf32, #tpu.memory_space<vmem>> -> memref<128x64xf32, #tpu.memory_space<vmem>>
        tpu.wait_dma2 semaphore(%run_scoped3A_190 : memref<!tpu.dma_semaphore, #tpu.memory_space<semaphore_mem>>) src(%dma_wait3A_210 : memref<128x64xf32, #tpu.memory_space<vmem>>) dst(%dma_wait3A_206 : memref<128x64xf32, #tpu.memory_space<hbm>>)
        tpu.yield
      }) : () -> ()
      %add3A_100 = arith.constant 2 : i32
      %add3A_101 = arith.addi %mul3A_35, %add3A_100 : i32
      %lt3A = arith.constant 100 : i32
      %lt3A_102 = arith.cmpi slt, %add3A_101, %lt3A : i32
      %convert_element_type3A = arith.extui %lt3A_102 : i1 to i32
      %cond3A = arith.constant 0 : i32
      %cond3A_103 = arith.cmpi ne, %convert_element_type3A, %cond3A : i32
      scf.if %cond3A_103 {
        %add3A_190 = arith.constant 2 : i32
        %add3A_191 = arith.addi %mul3A_35, %add3A_190 : i32
        %dma_start3A_192 = arith.constant 0 : i32
        %dma_start3A_193 = arith.constant 0 : i32
        %dma_start3A_194 = arith.constant 0 : i32
        %dma_start3A_195 = tpu.memref_slice %arg6[%dma_start3A_192, %dma_start3A_193, %dma_start3A_194] : memref<2x128x64xf32, #tpu.memory_space<vmem>> -> memref<1x128x64xf32, #tpu.memory_space<vmem>>
        %dma_start3A_196 = tpu.memref_squeeze %dma_start3A_195 : memref<1x128x64xf32, #tpu.memory_space<vmem>> -> memref<128x64xf32, #tpu.memory_space<vmem>>
        %dma_start3A_197 = arith.constant 0 : i32
        %dma_start3A_198 = tpu.memref_slice %arg5[%add3A_191, %dma_start3A_197] : memref<100x128xi32, #tpu.memory_space<vmem>> -> memref<1x128xi32, #tpu.memory_space<vmem>>
        %dma_start3A_199 = tpu.memref_squeeze %dma_start3A_198 : memref<1x128xi32, #tpu.memory_space<vmem>> -> memref<128xi32, #tpu.memory_space<vmem>>
        %dma_start3A_200 = arith.constant 0 : i32
        %dma_start3A_201 = arith.constant 0 : i32
        %dma_start3A_202 = tpu.memref_slice %arg2[%dma_start3A_200, %dma_start3A_201] : memref<1000000x64xf32, #tpu.memory_space<hbm>> -> memref<1000000x64xf32, #tpu.memory_space<hbm>>
        tpu.enqueue_indirect_dma source(%dma_start3A_202 : memref<1000000x64xf32, #tpu.memory_space<hbm>>) target(%dma_start3A_196 : memref<128x64xf32, #tpu.memory_space<vmem>>) offsets(%dma_start3A_199 : memref<128xi32, #tpu.memory_space<vmem>>) semaphore(%arg7 : memref<!tpu.dma_semaphore, #tpu.memory_space<semaphore_mem>>)
      } else {
      }
      %mul3A_104 = arith.constant 2 : i32
      %mul3A_105 = arith.muli %mul3A_104, %scan3A_32 : i32
      %add3A_106 = arith.constant 1 : i32
      %add3A_107 = arith.addi %mul3A_105, %add3A_106 : i32
      %dma_wait3A_108 = arith.constant 1 : i32
      %dma_wait3A_109 = arith.constant 0 : i32
      %dma_wait3A_110 = arith.constant 0 : i32
      %dma_wait3A_111 = tpu.memref_slice %arg6[%dma_wait3A_108, %dma_wait3A_109, %dma_wait3A_110] : memref<2x128x64xf32, #tpu.memory_space<vmem>> -> memref<1x128x64xf32, #tpu.memory_space<vmem>>
      %dma_wait3A_112 = tpu.memref_squeeze %dma_wait3A_111 : memref<1x128x64xf32, #tpu.memory_space<vmem>> -> memref<128x64xf32, #tpu.memory_space<vmem>>
      %dma_wait3A_113 = arith.constant 0 : i32
      %dma_wait3A_114 = tpu.memref_slice %arg5[%add3A_107, %dma_wait3A_113] : memref<100x128xi32, #tpu.memory_space<vmem>> -> memref<1x128xi32, #tpu.memory_space<vmem>>
      %dma_wait3A_115 = tpu.memref_squeeze %dma_wait3A_114 : memref<1x128xi32, #tpu.memory_space<vmem>> -> memref<128xi32, #tpu.memory_space<vmem>>
      %dma_wait3A_116 = arith.constant 0 : i32
      %dma_wait3A_117 = arith.constant 0 : i32
      %dma_wait3A_118 = tpu.memref_slice %arg2[%dma_wait3A_116, %dma_wait3A_117] : memref<1000000x64xf32, #tpu.memory_space<hbm>> -> memref<1000000x64xf32, #tpu.memory_space<hbm>>
      tpu.wait_indirect_dma semaphore(%arg8 : memref<!tpu.dma_semaphore, #tpu.memory_space<semaphore_mem>>) src(%dma_wait3A_118 : memref<1000000x64xf32, #tpu.memory_space<hbm>>) dst(%dma_wait3A_112 : memref<128x64xf32, #tpu.memory_space<vmem>>)
      %mul3A_119 = arith.constant 128 : i32
      %mul3A_120 = arith.muli %add3A_107, %mul3A_119 : i32
      %add3A_121 = arith.addi %mul3A_2, %mul3A_120 : i32
      %jit3A_122 = arith.constant 16384 : i32
      %div3A_123 = arith.divsi %add3A_121, %jit3A_122 : i32
      %sign3A_124 = arith.constant 0 : i32
      %sign3A_125 = arith.cmpi sgt, %add3A_121, %sign3A_124 : i32
      %sign3A_126 = arith.extui %sign3A_125 : i1 to i32
      %sign3A_127 = arith.constant 0 : i32
      %sign3A_128 = arith.cmpi slt, %add3A_121, %sign3A_127 : i32
      %sign3A_129 = arith.extui %sign3A_128 : i1 to i32
      %sign3A_130 = arith.subi %sign3A_126, %sign3A_129 : i32
      %sign3A_131 = arith.constant 0 : i32
      %sign3A_132 = arith.cmpi sgt, %jit3A_122, %sign3A_131 : i32
      %sign3A_133 = arith.extui %sign3A_132 : i1 to i32
      %sign3A_134 = arith.constant 0 : i32
      %sign3A_135 = arith.cmpi slt, %jit3A_122, %sign3A_134 : i32
      %sign3A_136 = arith.extui %sign3A_135 : i1 to i32
      %sign3A_137 = arith.subi %sign3A_133, %sign3A_136 : i32
      %ne3A_138 = arith.cmpi ne, %sign3A_130, %sign3A_137 : i32
      %rem3A_139 = arith.remsi %add3A_121, %jit3A_122 : i32
      %ne3A_140 = arith.constant 0 : i32
      %ne3A_141 = arith.cmpi ne, %rem3A_139, %ne3A_140 : i32
      %and3A_142 = arith.andi %ne3A_138, %ne3A_141 : i1
      %sub3A_143 = arith.constant 1 : i32
      %sub3A_144 = arith.subi %div3A_123, %sub3A_143 : i32
      %select_n3A_145 = arith.select %and3A_142, %sub3A_144, %div3A_123 : i32
      %mul3A_146 = arith.constant 16384 : i32
      %mul3A_147 = arith.muli %select_n3A_145, %mul3A_146 : i32
      %sub3A_148 = arith.subi %add3A_121, %mul3A_147 : i32
      %jit3A_149 = arith.constant 8192 : i32
      %div3A_150 = arith.divsi %sub3A_148, %jit3A_149 : i32
      %sign3A_151 = arith.constant 0 : i32
      %sign3A_152 = arith.cmpi sgt, %sub3A_148, %sign3A_151 : i32
      %sign3A_153 = arith.extui %sign3A_152 : i1 to i32
      %sign3A_154 = arith.constant 0 : i32
      %sign3A_155 = arith.cmpi slt, %sub3A_148, %sign3A_154 : i32
      %sign3A_156 = arith.extui %sign3A_155 : i1 to i32
      %sign3A_157 = arith.subi %sign3A_153, %sign3A_156 : i32
      %sign3A_158 = arith.constant 0 : i32
      %sign3A_159 = arith.cmpi sgt, %jit3A_149, %sign3A_158 : i32
      %sign3A_160 = arith.extui %sign3A_159 : i1 to i32
      %sign3A_161 = arith.constant 0 : i32
      %sign3A_162 = arith.cmpi slt, %jit3A_149, %sign3A_161 : i32
      %sign3A_163 = arith.extui %sign3A_162 : i1 to i32
      %sign3A_164 = arith.subi %sign3A_160, %sign3A_163 : i32
      %ne3A_165 = arith.cmpi ne, %sign3A_157, %sign3A_164 : i32
      %rem3A_166 = arith.remsi %sub3A_148, %jit3A_149 : i32
      %ne3A_167 = arith.constant 0 : i32
      %ne3A_168 = arith.cmpi ne, %rem3A_166, %ne3A_167 : i32
      %and3A_169 = arith.andi %ne3A_165, %ne3A_168 : i1
      %sub3A_170 = arith.constant 1 : i32
      %sub3A_171 = arith.subi %div3A_150, %sub3A_170 : i32
      %select_n3A_172 = arith.select %and3A_169, %sub3A_171, %div3A_150 : i32
      %mul3A_173 = arith.constant 8192 : i32
      %mul3A_174 = arith.muli %select_n3A_172, %mul3A_173 : i32
      %sub3A_175 = arith.subi %sub3A_148, %mul3A_174 : i32
      %mul3A_176 = arith.constant 8192 : i32
      %mul3A_177 = arith.muli %select_n3A_145, %mul3A_176 : i32
      %add3A_178 = arith.addi %mul3A_177, %sub3A_175 : i32
      %mul3A_179 = arith.constant 64 : i32
      %mul3A_180 = arith.muli %select_n3A_172, %mul3A_179 : i32
      %run_scoped3A_181 = arith.constant 1 : i32
      "tpu.region"() ({
        %run_scoped3A_190 = tpu.sem_alloc : memref<!tpu.dma_semaphore, #tpu.memory_space<semaphore_mem>>
        %dma_start3A_191 = arith.constant 0 : i32
        %dma_start3A_192 = arith.constant 0 : i32
        %dma_start3A_193 = tpu.memref_slice %arg6[%run_scoped3A_181, %dma_start3A_191, %dma_start3A_192] : memref<2x128x64xf32, #tpu.memory_space<vmem>> -> memref<1x128x64xf32, #tpu.memory_space<vmem>>
        %dma_start3A_194 = tpu.memref_squeeze %dma_start3A_193 : memref<1x128x64xf32, #tpu.memory_space<vmem>> -> memref<128x64xf32, #tpu.memory_space<vmem>>
        %dma_start3A_195 = tpu.memref_slice %arg4[%add3A_178, %mul3A_180] : memref<204800x128xf32, #tpu.memory_space<hbm>> -> memref<128x64xf32, #tpu.memory_space<hbm>>
        %dma_start3A_196 = tpu.memref_slice %arg4[%add3A_178, %mul3A_180] : memref<204800x128xf32, #tpu.memory_space<hbm>> -> memref<128x64xf32, #tpu.memory_space<hbm>>
        %dma_start3A_197 = arith.constant 0 : i32
        %dma_start3A_198 = arith.constant 0 : i32
        %dma_start3A_199 = tpu.memref_slice %arg6[%run_scoped3A_181, %dma_start3A_197, %dma_start3A_198] : memref<2x128x64xf32, #tpu.memory_space<vmem>> -> memref<1x128x64xf32, #tpu.memory_space<vmem>>
        %dma_start3A_200 = tpu.memref_squeeze %dma_start3A_199 : memref<1x128x64xf32, #tpu.memory_space<vmem>> -> memref<128x64xf32, #tpu.memory_space<vmem>>
        tpu.enqueue_dma source(%dma_start3A_200 : memref<128x64xf32, #tpu.memory_space<vmem>>) target(%dma_start3A_196 : memref<128x64xf32, #tpu.memory_space<hbm>>) target_semaphore(%run_scoped3A_190 : memref<!tpu.dma_semaphore, #tpu.memory_space<semaphore_mem>>)
        %dma_wait3A_201 = arith.constant 0 : i32
        %dma_wait3A_202 = arith.constant 0 : i32
        %dma_wait3A_203 = tpu.memref_slice %arg6[%run_scoped3A_181, %dma_wait3A_201, %dma_wait3A_202] : memref<2x128x64xf32, #tpu.memory_space<vmem>> -> memref<1x128x64xf32, #tpu.memory_space<vmem>>
        %dma_wait3A_204 = tpu.memref_squeeze %dma_wait3A_203 : memref<1x128x64xf32, #tpu.memory_space<vmem>> -> memref<128x64xf32, #tpu.memory_space<vmem>>
        %dma_wait3A_205 = tpu.memref_slice %arg4[%add3A_178, %mul3A_180] : memref<204800x128xf32, #tpu.memory_space<hbm>> -> memref<128x64xf32, #tpu.memory_space<hbm>>
        %dma_wait3A_206 = tpu.memref_slice %arg4[%add3A_178, %mul3A_180] : memref<204800x128xf32, #tpu.memory_space<hbm>> -> memref<128x64xf32, #tpu.memory_space<hbm>>
        %dma_wait3A_207 = arith.constant 0 : i32
        %dma_wait3A_208 = arith.constant 0 : i32
        %dma_wait3A_209 = tpu.memref_slice %arg6[%run_scoped3A_181, %dma_wait3A_207, %dma_wait3A_208] : memref<2x128x64xf32, #tpu.memory_space<vmem>> -> memref<1x128x64xf32, #tpu.memory_space<vmem>>
        %dma_wait3A_210 = tpu.memref_squeeze %dma_wait3A_209 : memref<1x128x64xf32, #tpu.memory_space<vmem>> -> memref<128x64xf32, #tpu.memory_space<vmem>>
        tpu.wait_dma2 semaphore(%run_scoped3A_190 : memref<!tpu.dma_semaphore, #tpu.memory_space<semaphore_mem>>) src(%dma_wait3A_210 : memref<128x64xf32, #tpu.memory_space<vmem>>) dst(%dma_wait3A_206 : memref<128x64xf32, #tpu.memory_space<hbm>>)
        tpu.yield
      }) : () -> ()
      %add3A_182 = arith.constant 2 : i32
      %add3A_183 = arith.addi %add3A_107, %add3A_182 : i32
      %lt3A_184 = arith.constant 100 : i32
      %lt3A_185 = arith.cmpi slt, %add3A_183, %lt3A_184 : i32
      %convert_element_type3A_186 = arith.extui %lt3A_185 : i1 to i32
      %cond3A_187 = arith.constant 0 : i32
      %cond3A_188 = arith.cmpi ne, %convert_element_type3A_186, %cond3A_187 : i32
      scf.if %cond3A_188 {
        %add3A_190 = arith.constant 2 : i32
        %add3A_191 = arith.addi %add3A_107, %add3A_190 : i32
        %dma_start3A_192 = arith.constant 1 : i32
        %dma_start3A_193 = arith.constant 0 : i32
        %dma_start3A_194 = arith.constant 0 : i32
        %dma_start3A_195 = tpu.memref_slice %arg6[%dma_start3A_192, %dma_start3A_193, %dma_start3A_194] : memref<2x128x64xf32, #tpu.memory_space<vmem>> -> memref<1x128x64xf32, #tpu.memory_space<vmem>>
        %dma_start3A_196 = tpu.memref_squeeze %dma_start3A_195 : memref<1x128x64xf32, #tpu.memory_space<vmem>> -> memref<128x64xf32, #tpu.memory_space<vmem>>
        %dma_start3A_197 = arith.constant 0 : i32
        %dma_start3A_198 = tpu.memref_slice %arg5[%add3A_191, %dma_start3A_197] : memref<100x128xi32, #tpu.memory_space<vmem>> -> memref<1x128xi32, #tpu.memory_space<vmem>>
        %dma_start3A_199 = tpu.memref_squeeze %dma_start3A_198 : memref<1x128xi32, #tpu.memory_space<vmem>> -> memref<128xi32, #tpu.memory_space<vmem>>
        %dma_start3A_200 = arith.constant 0 : i32
        %dma_start3A_201 = arith.constant 0 : i32
        %dma_start3A_202 = tpu.memref_slice %arg2[%dma_start3A_200, %dma_start3A_201] : memref<1000000x64xf32, #tpu.memory_space<hbm>> -> memref<1000000x64xf32, #tpu.memory_space<hbm>>
        tpu.enqueue_indirect_dma source(%dma_start3A_202 : memref<1000000x64xf32, #tpu.memory_space<hbm>>) target(%dma_start3A_196 : memref<128x64xf32, #tpu.memory_space<vmem>>) offsets(%dma_start3A_199 : memref<128xi32, #tpu.memory_space<vmem>>) semaphore(%arg8 : memref<!tpu.dma_semaphore, #tpu.memory_space<semaphore_mem>>)
      } else {
      }
      %scan3A_189 = arith.constant 0 : i32
      scf.yield %scan3A_189 : i32
    }
    %scan3A_31 = arith.constant 50 : i32
    return
  }
}

#map = affine_map<(d0, d1) -> (0, 0)>
#map1 = affine_map<(d0, d1) -> (0, 0, 0)>
module attributes {stable_mosaic.version = 14 : i64} {
  func.func @k(%arg0: i32, %arg1: i32, %arg2: memref<1000000x64xf32, #tpu.memory_space<hbm>>, %arg3: memref<32x100x128xi32, #tpu.memory_space<hbm>>, %arg4: memref<204800x128xf32, #tpu.memory_space<hbm>>, %arg5: memref<100x128xi32, #tpu.memory_space<vmem>>, %arg6: memref<2x128x64xf32, #tpu.memory_space<vmem>>, %arg7: memref<!tpu.dma_semaphore, #tpu.memory_space<semaphore_mem>>, %arg8: memref<!tpu.dma_semaphore, #tpu.memory_space<semaphore_mem>>) attributes {dimension_semantics = [#tpu.dimension_semantics<core_parallel>, #tpu.dimension_semantics<subcore_parallel>], iteration_bounds = array<i64: 2, 16>, scalar_prefetch = 0 : i64, scratch_operands = 4 : i64, tpu.core_type = #tpu.core_type<sc_vector_subcore>, window_params = [{transform_indices = #map}, {transform_indices = #map1}, {transform_indices = #map}]} {
    %mul3A = arith.constant 2 : i32
    %mul3A_0 = arith.muli %arg1, %mul3A : i32
    %add3A = arith.addi %mul3A_0, %arg0 : i32
    %mul3A_1 = arith.constant 12800 : i32
    %mul3A_2 = arith.muli %add3A, %mul3A_1 : i32
    "tpu.region"() ({
      %run_scoped3A = tpu.sem_alloc : memref<!tpu.dma_semaphore, #tpu.memory_space<semaphore_mem>>
      %dma_start3A_32 = arith.constant 0 : i32
      %dma_start3A_33 = arith.constant 0 : i32
      %dma_start3A_34 = tpu.memref_slice %arg3[%add3A, %dma_start3A_32, %dma_start3A_33] : memref<32x100x128xi32, #tpu.memory_space<hbm>> -> memref<1x100x128xi32, #tpu.memory_space<hbm>>
      %dma_start3A_35 = tpu.memref_squeeze %dma_start3A_34 : memref<1x100x128xi32, #tpu.memory_space<hbm>> -> memref<100x128xi32, #tpu.memory_space<hbm>>
      %dma_start3A_36 = arith.constant 0 : i32
      %dma_start3A_37 = arith.constant 0 : i32
      %dma_start3A_38 = tpu.memref_slice %arg3[%add3A, %dma_start3A_36, %dma_start3A_37] : memref<32x100x128xi32, #tpu.memory_space<hbm>> -> memref<1x100x128xi32, #tpu.memory_space<hbm>>
      %dma_start3A_39 = tpu.memref_squeeze %dma_start3A_38 : memref<1x100x128xi32, #tpu.memory_space<hbm>> -> memref<100x128xi32, #tpu.memory_space<hbm>>
      tpu.enqueue_dma source(%dma_start3A_39 : memref<100x128xi32, #tpu.memory_space<hbm>>) target(%arg5 : memref<100x128xi32, #tpu.memory_space<vmem>>) target_semaphore(%run_scoped3A : memref<!tpu.dma_semaphore, #tpu.memory_space<semaphore_mem>>)
      %dma_wait3A = arith.constant 0 : i32
      %dma_wait3A_40 = arith.constant 0 : i32
      %dma_wait3A_41 = tpu.memref_slice %arg3[%add3A, %dma_wait3A, %dma_wait3A_40] : memref<32x100x128xi32, #tpu.memory_space<hbm>> -> memref<1x100x128xi32, #tpu.memory_space<hbm>>
      %dma_wait3A_42 = tpu.memref_squeeze %dma_wait3A_41 : memref<1x100x128xi32, #tpu.memory_space<hbm>> -> memref<100x128xi32, #tpu.memory_space<hbm>>
      %dma_wait3A_43 = arith.constant 0 : i32
      %dma_wait3A_44 = arith.constant 0 : i32
      %dma_wait3A_45 = tpu.memref_slice %arg3[%add3A, %dma_wait3A_43, %dma_wait3A_44] : memref<32x100x128xi32, #tpu.memory_space<hbm>> -> memref<1x100x128xi32, #tpu.memory_space<hbm>>
      %dma_wait3A_46 = tpu.memref_squeeze %dma_wait3A_45 : memref<1x100x128xi32, #tpu.memory_space<hbm>> -> memref<100x128xi32, #tpu.memory_space<hbm>>
      tpu.wait_dma2 semaphore(%run_scoped3A : memref<!tpu.dma_semaphore, #tpu.memory_space<semaphore_mem>>) src(%dma_wait3A_46 : memref<100x128xi32, #tpu.memory_space<hbm>>) dst(%arg5 : memref<100x128xi32, #tpu.memory_space<vmem>>)
      tpu.yield
    }) : () -> ()
    %dma_start3A = arith.constant 0 : i32
    %dma_start3A_3 = arith.constant 0 : i32
    %dma_start3A_4 = arith.constant 0 : i32
    %dma_start3A_5 = arith.constant 0 : i32
    %dma_start3A_6 = tpu.memref_slice %arg6[%dma_start3A_3, %dma_start3A_4, %dma_start3A_5] : memref<2x128x64xf32, #tpu.memory_space<vmem>> -> memref<1x128x64xf32, #tpu.memory_space<vmem>>
    %dma_start3A_7 = tpu.memref_squeeze %dma_start3A_6 : memref<1x128x64xf32, #tpu.memory_space<vmem>> -> memref<128x64xf32, #tpu.memory_space<vmem>>
    %dma_start3A_8 = arith.constant 0 : i32
    %dma_start3A_9 = tpu.memref_slice %arg5[%dma_start3A, %dma_start3A_8] : memref<100x128xi32, #tpu.memory_space<vmem>> -> memref<1x128xi32, #tpu.memory_space<vmem>>
    %dma_start3A_10 = tpu.memref_squeeze %dma_start3A_9 : memref<1x128xi32, #tpu.memory_space<vmem>> -> memref<128xi32, #tpu.memory_space<vmem>>
    %dma_start3A_11 = arith.constant 0 : i32
    %dma_start3A_12 = arith.constant 0 : i32
    %dma_start3A_13 = tpu.memref_slice %arg2[%dma_start3A_11, %dma_start3A_12] : memref<1000000x64xf32, #tpu.memory_space<hbm>> -> memref<1000000x64xf32, #tpu.memory_space<hbm>>
    tpu.enqueue_indirect_dma source(%dma_start3A_13 : memref<1000000x64xf32, #tpu.memory_space<hbm>>) target(%dma_start3A_7 : memref<128x64xf32, #tpu.memory_space<vmem>>) offsets(%dma_start3A_10 : memref<128xi32, #tpu.memory_space<vmem>>) semaphore(%arg7 : memref<!tpu.dma_semaphore, #tpu.memory_space<semaphore_mem>>)
    %dma_start3A_14 = arith.constant 1 : i32
    %dma_start3A_15 = arith.constant 1 : i32
    %dma_start3A_16 = arith.constant 0 : i32
    %dma_start3A_17 = arith.constant 0 : i32
    %dma_start3A_18 = tpu.memref_slice %arg6[%dma_start3A_15, %dma_start3A_16, %dma_start3A_17] : memref<2x128x64xf32, #tpu.memory_space<vmem>> -> memref<1x128x64xf32, #tpu.memory_space<vmem>>
    %dma_start3A_19 = tpu.memref_squeeze %dma_start3A_18 : memref<1x128x64xf32, #tpu.memory_space<vmem>> -> memref<128x64xf32, #tpu.memory_space<vmem>>
    %dma_start3A_20 = arith.constant 0 : i32
    %dma_start3A_21 = tpu.memref_slice %arg5[%dma_start3A_14, %dma_start3A_20] : memref<100x128xi32, #tpu.memory_space<vmem>> -> memref<1x128xi32, #tpu.memory_space<vmem>>
    %dma_start3A_22 = tpu.memref_squeeze %dma_start3A_21 : memref<1x128xi32, #tpu.memory_space<vmem>> -> memref<128xi32, #tpu.memory_space<vmem>>
    %dma_start3A_23 = arith.constant 0 : i32
    %dma_start3A_24 = arith.constant 0 : i32
    %dma_start3A_25 = tpu.memref_slice %arg2[%dma_start3A_23, %dma_start3A_24] : memref<1000000x64xf32, #tpu.memory_space<hbm>> -> memref<1000000x64xf32, #tpu.memory_space<hbm>>
    tpu.enqueue_indirect_dma source(%dma_start3A_25 : memref<1000000x64xf32, #tpu.memory_space<hbm>>) target(%dma_start3A_19 : memref<128x64xf32, #tpu.memory_space<vmem>>) offsets(%dma_start3A_22 : memref<128xi32, #tpu.memory_space<vmem>>) semaphore(%arg8 : memref<!tpu.dma_semaphore, #tpu.memory_space<semaphore_mem>>)
    %scan3A = arith.constant 0 : i32
    %scan3A_26 = arith.constant 0 : i32
    %scan3A_27 = arith.constant 50 : i32
    %scan3A_28 = arith.addi %scan3A_26, %scan3A_27 : i32
    %scan3A_29 = arith.constant 1 : i32
    %scan3A_30 = scf.for %scan3A_32 = %scan3A_26 to %scan3A_28 step %scan3A_29 iter_args(%scan3A_33 = %scan3A) -> (i32)  : i32 {
      %mul3A_34 = arith.constant 2 : i32
      %mul3A_35 = arith.muli %mul3A_34, %scan3A_32 : i32
      %dma_wait3A = arith.constant 0 : i32
      %dma_wait3A_36 = arith.constant 0 : i32
      %dma_wait3A_37 = arith.constant 0 : i32
      %dma_wait3A_38 = tpu.memref_slice %arg6[%dma_wait3A, %dma_wait3A_36, %dma_wait3A_37] : memref<2x128x64xf32, #tpu.memory_space<vmem>> -> memref<1x128x64xf32, #tpu.memory_space<vmem>>
      %dma_wait3A_39 = tpu.memref_squeeze %dma_wait3A_38 : memref<1x128x64xf32, #tpu.memory_space<vmem>> -> memref<128x64xf32, #tpu.memory_space<vmem>>
      %dma_wait3A_40 = arith.constant 0 : i32
      %dma_wait3A_41 = tpu.memref_slice %arg5[%mul3A_35, %dma_wait3A_40] : memref<100x128xi32, #tpu.memory_space<vmem>> -> memref<1x128xi32, #tpu.memory_space<vmem>>
      %dma_wait3A_42 = tpu.memref_squeeze %dma_wait3A_41 : memref<1x128xi32, #tpu.memory_space<vmem>> -> memref<128xi32, #tpu.memory_space<vmem>>
      %dma_wait3A_43 = arith.constant 0 : i32
      %dma_wait3A_44 = arith.constant 0 : i32
      %dma_wait3A_45 = tpu.memref_slice %arg2[%dma_wait3A_43, %dma_wait3A_44] : memref<1000000x64xf32, #tpu.memory_space<hbm>> -> memref<1000000x64xf32, #tpu.memory_space<hbm>>
      tpu.wait_indirect_dma semaphore(%arg7 : memref<!tpu.dma_semaphore, #tpu.memory_space<semaphore_mem>>) src(%dma_wait3A_45 : memref<1000000x64xf32, #tpu.memory_space<hbm>>) dst(%dma_wait3A_39 : memref<128x64xf32, #tpu.memory_space<vmem>>)
      %mul3A_46 = arith.constant 128 : i32
      %mul3A_47 = arith.muli %mul3A_35, %mul3A_46 : i32
      %add3A_48 = arith.addi %mul3A_2, %mul3A_47 : i32
      %jit3A = arith.constant 16384 : i32
      %div3A = arith.divsi %add3A_48, %jit3A : i32
      %sign3A = arith.constant 0 : i32
      %sign3A_49 = arith.cmpi sgt, %add3A_48, %sign3A : i32
      %sign3A_50 = arith.extui %sign3A_49 : i1 to i32
      %sign3A_51 = arith.constant 0 : i32
      %sign3A_52 = arith.cmpi slt, %add3A_48, %sign3A_51 : i32
      %sign3A_53 = arith.extui %sign3A_52 : i1 to i32
      %sign3A_54 = arith.subi %sign3A_50, %sign3A_53 : i32
      %sign3A_55 = arith.constant 0 : i32
      %sign3A_56 = arith.cmpi sgt, %jit3A, %sign3A_55 : i32
      %sign3A_57 = arith.extui %sign3A_56 : i1 to i32
      %sign3A_58 = arith.constant 0 : i32
      %sign3A_59 = arith.cmpi slt, %jit3A, %sign3A_58 : i32
      %sign3A_60 = arith.extui %sign3A_59 : i1 to i32
      %sign3A_61 = arith.subi %sign3A_57, %sign3A_60 : i32
      %ne3A = arith.cmpi ne, %sign3A_54, %sign3A_61 : i32
      %rem3A = arith.remsi %add3A_48, %jit3A : i32
      %ne3A_62 = arith.constant 0 : i32
      %ne3A_63 = arith.cmpi ne, %rem3A, %ne3A_62 : i32
      %and3A = arith.andi %ne3A, %ne3A_63 : i1
      %sub3A = arith.constant 1 : i32
      %sub3A_64 = arith.subi %div3A, %sub3A : i32
      %select_n3A = arith.select %and3A, %sub3A_64, %div3A : i32
      %mul3A_65 = arith.constant 16384 : i32
      %mul3A_66 = arith.muli %select_n3A, %mul3A_65 : i32
      %sub3A_67 = arith.subi %add3A_48, %mul3A_66 : i32
      %jit3A_68 = arith.constant 8192 : i32
      %div3A_69 = arith.divsi %sub3A_67, %jit3A_68 : i32
      %sign3A_70 = arith.constant 0 : i32
      %sign3A_71 = arith.cmpi sgt, %sub3A_67, %sign3A_70 : i32
      %sign3A_72 = arith.extui %sign3A_71 : i1 to i32
      %sign3A_73 = arith.constant 0 : i32
      %sign3A_74 = arith.cmpi slt, %sub3A_67, %sign3A_73 : i32
      %sign3A_75 = arith.extui %sign3A_74 : i1 to i32
      %sign3A_76 = arith.subi %sign3A_72, %sign3A_75 : i32
      %sign3A_77 = arith.constant 0 : i32
      %sign3A_78 = arith.cmpi sgt, %jit3A_68, %sign3A_77 : i32
      %sign3A_79 = arith.extui %sign3A_78 : i1 to i32
      %sign3A_80 = arith.constant 0 : i32
      %sign3A_81 = arith.cmpi slt, %jit3A_68, %sign3A_80 : i32
      %sign3A_82 = arith.extui %sign3A_81 : i1 to i32
      %sign3A_83 = arith.subi %sign3A_79, %sign3A_82 : i32
      %ne3A_84 = arith.cmpi ne, %sign3A_76, %sign3A_83 : i32
      %rem3A_85 = arith.remsi %sub3A_67, %jit3A_68 : i32
      %ne3A_86 = arith.constant 0 : i32
      %ne3A_87 = arith.cmpi ne, %rem3A_85, %ne3A_86 : i32
      %and3A_88 = arith.andi %ne3A_84, %ne3A_87 : i1
      %sub3A_89 = arith.constant 1 : i32
      %sub3A_90 = arith.subi %div3A_69, %sub3A_89 : i32
      %select_n3A_91 = arith.select %and3A_88, %sub3A_90, %div3A_69 : i32
      %mul3A_92 = arith.constant 8192 : i32
      %mul3A_93 = arith.muli %select_n3A_91, %mul3A_92 : i32
      %sub3A_94 = arith.subi %sub3A_67, %mul3A_93 : i32
      %mul3A_95 = arith.constant 8192 : i32
      %mul3A_96 = arith.muli %select_n3A, %mul3A_95 : i32
      %add3A_97 = arith.addi %mul3A_96, %sub3A_94 : i32
      %mul3A_98 = arith.constant 64 : i32
      %mul3A_99 = arith.muli %select_n3A_91, %mul3A_98 : i32
      %run_scoped3A = arith.constant 0 : i32
      "tpu.region"() ({
        %run_scoped3A_190 = tpu.sem_alloc : memref<!tpu.dma_semaphore, #tpu.memory_space<semaphore_mem>>
        %dma_start3A_191 = arith.constant 0 : i32
        %dma_start3A_192 = arith.constant 0 : i32
        %dma_start3A_193 = tpu.memref_slice %arg6[%run_scoped3A, %dma_start3A_191, %dma_start3A_192] : memref<2x128x64xf32, #tpu.memory_space<vmem>> -> memref<1x128x64xf32, #tpu.memory_space<vmem>>
        %dma_start3A_194 = tpu.memref_squeeze %dma_start3A_193 : memref<1x128x64xf32, #tpu.memory_space<vmem>> -> memref<128x64xf32, #tpu.memory_space<vmem>>
        %dma_start3A_195 = tpu.memref_slice %arg4[%add3A_97, %mul3A_99] : memref<204800x128xf32, #tpu.memory_space<hbm>> -> memref<128x64xf32, #tpu.memory_space<hbm>>
        %dma_start3A_196 = tpu.memref_slice %arg4[%add3A_97, %mul3A_99] : memref<204800x128xf32, #tpu.memory_space<hbm>> -> memref<128x64xf32, #tpu.memory_space<hbm>>
        %dma_start3A_197 = arith.constant 0 : i32
        %dma_start3A_198 = arith.constant 0 : i32
        %dma_start3A_199 = tpu.memref_slice %arg6[%run_scoped3A, %dma_start3A_197, %dma_start3A_198] : memref<2x128x64xf32, #tpu.memory_space<vmem>> -> memref<1x128x64xf32, #tpu.memory_space<vmem>>
        %dma_start3A_200 = tpu.memref_squeeze %dma_start3A_199 : memref<1x128x64xf32, #tpu.memory_space<vmem>> -> memref<128x64xf32, #tpu.memory_space<vmem>>
        tpu.enqueue_dma source(%dma_start3A_200 : memref<128x64xf32, #tpu.memory_space<vmem>>) target(%dma_start3A_196 : memref<128x64xf32, #tpu.memory_space<hbm>>) target_semaphore(%run_scoped3A_190 : memref<!tpu.dma_semaphore, #tpu.memory_space<semaphore_mem>>)
        %dma_wait3A_201 = arith.constant 0 : i32
        %dma_wait3A_202 = arith.constant 0 : i32
        %dma_wait3A_203 = tpu.memref_slice %arg6[%run_scoped3A, %dma_wait3A_201, %dma_wait3A_202] : memref<2x128x64xf32, #tpu.memory_space<vmem>> -> memref<1x128x64xf32, #tpu.memory_space<vmem>>
        %dma_wait3A_204 = tpu.memref_squeeze %dma_wait3A_203 : memref<1x128x64xf32, #tpu.memory_space<vmem>> -> memref<128x64xf32, #tpu.memory_space<vmem>>
        %dma_wait3A_205 = tpu.memref_slice %arg4[%add3A_97, %mul3A_99] : memref<204800x128xf32, #tpu.memory_space<hbm>> -> memref<128x64xf32, #tpu.memory_space<hbm>>
        %dma_wait3A_206 = tpu.memref_slice %arg4[%add3A_97, %mul3A_99] : memref<204800x128xf32, #tpu.memory_space<hbm>> -> memref<128x64xf32, #tpu.memory_space<hbm>>
        %dma_wait3A_207 = arith.constant 0 : i32
        %dma_wait3A_208 = arith.constant 0 : i32
        %dma_wait3A_209 = tpu.memref_slice %arg6[%run_scoped3A, %dma_wait3A_207, %dma_wait3A_208] : memref<2x128x64xf32, #tpu.memory_space<vmem>> -> memref<1x128x64xf32, #tpu.memory_space<vmem>>
        %dma_wait3A_210 = tpu.memref_squeeze %dma_wait3A_209 : memref<1x128x64xf32, #tpu.memory_space<vmem>> -> memref<128x64xf32, #tpu.memory_space<vmem>>
        tpu.wait_dma2 semaphore(%run_scoped3A_190 : memref<!tpu.dma_semaphore, #tpu.memory_space<semaphore_mem>>) src(%dma_wait3A_210 : memref<128x64xf32, #tpu.memory_space<vmem>>) dst(%dma_wait3A_206 : memref<128x64xf32, #tpu.memory_space<hbm>>)
        tpu.yield
      }) : () -> ()
      %add3A_100 = arith.constant 2 : i32
      %add3A_101 = arith.addi %mul3A_35, %add3A_100 : i32
      %lt3A = arith.constant 100 : i32
      %lt3A_102 = arith.cmpi slt, %add3A_101, %lt3A : i32
      %convert_element_type3A = arith.extui %lt3A_102 : i1 to i32
      %cond3A = arith.constant 0 : i32
      %cond3A_103 = arith.cmpi ne, %convert_element_type3A, %cond3A : i32
      scf.if %cond3A_103 {
        %add3A_190 = arith.constant 2 : i32
        %add3A_191 = arith.addi %mul3A_35, %add3A_190 : i32
        %dma_start3A_192 = arith.constant 0 : i32
        %dma_start3A_193 = arith.constant 0 : i32
        %dma_start3A_194 = arith.constant 0 : i32
        %dma_start3A_195 = tpu.memref_slice %arg6[%dma_start3A_192, %dma_start3A_193, %dma_start3A_194] : memref<2x128x64xf32, #tpu.memory_space<vmem>> -> memref<1x128x64xf32, #tpu.memory_space<vmem>>
        %dma_start3A_196 = tpu.memref_squeeze %dma_start3A_195 : memref<1x128x64xf32, #tpu.memory_space<vmem>> -> memref<128x64xf32, #tpu.memory_space<vmem>>
        %dma_start3A_197 = arith.constant 0 : i32
        %dma_start3A_198 = tpu.memref_slice %arg5[%add3A_191, %dma_start3A_197] : memref<100x128xi32, #tpu.memory_space<vmem>> -> memref<1x128xi32, #tpu.memory_space<vmem>>
        %dma_start3A_199 = tpu.memref_squeeze %dma_start3A_198 : memref<1x128xi32, #tpu.memory_space<vmem>> -> memref<128xi32, #tpu.memory_space<vmem>>
        %dma_start3A_200 = arith.constant 0 : i32
        %dma_start3A_201 = arith.constant 0 : i32
        %dma_start3A_202 = tpu.memref_slice %arg2[%dma_start3A_200, %dma_start3A_201] : memref<1000000x64xf32, #tpu.memory_space<hbm>> -> memref<1000000x64xf32, #tpu.memory_space<hbm>>
        tpu.enqueue_indirect_dma source(%dma_start3A_202 : memref<1000000x64xf32, #tpu.memory_space<hbm>>) target(%dma_start3A_196 : memref<128x64xf32, #tpu.memory_space<vmem>>) offsets(%dma_start3A_199 : memref<128xi32, #tpu.memory_space<vmem>>) semaphore(%arg7 : memref<!tpu.dma_semaphore, #tpu.memory_space<semaphore_mem>>)
      } else {
      }
      %mul3A_104 = arith.constant 2 : i32
      %mul3A_105 = arith.muli %mul3A_104, %scan3A_32 : i32
      %add3A_106 = arith.constant 1 : i32
      %add3A_107 = arith.addi %mul3A_105, %add3A_106 : i32
      %dma_wait3A_108 = arith.constant 1 : i32
      %dma_wait3A_109 = arith.constant 0 : i32
      %dma_wait3A_110 = arith.constant 0 : i32
      %dma_wait3A_111 = tpu.memref_slice %arg6[%dma_wait3A_108, %dma_wait3A_109, %dma_wait3A_110] : memref<2x128x64xf32, #tpu.memory_space<vmem>> -> memref<1x128x64xf32, #tpu.memory_space<vmem>>
      %dma_wait3A_112 = tpu.memref_squeeze %dma_wait3A_111 : memref<1x128x64xf32, #tpu.memory_space<vmem>> -> memref<128x64xf32, #tpu.memory_space<vmem>>
      %dma_wait3A_113 = arith.constant 0 : i32
      %dma_wait3A_114 = tpu.memref_slice %arg5[%add3A_107, %dma_wait3A_113] : memref<100x128xi32, #tpu.memory_space<vmem>> -> memref<1x128xi32, #tpu.memory_space<vmem>>
      %dma_wait3A_115 = tpu.memref_squeeze %dma_wait3A_114 : memref<1x128xi32, #tpu.memory_space<vmem>> -> memref<128xi32, #tpu.memory_space<vmem>>
      %dma_wait3A_116 = arith.constant 0 : i32
      %dma_wait3A_117 = arith.constant 0 : i32
      %dma_wait3A_118 = tpu.memref_slice %arg2[%dma_wait3A_116, %dma_wait3A_117] : memref<1000000x64xf32, #tpu.memory_space<hbm>> -> memref<1000000x64xf32, #tpu.memory_space<hbm>>
      tpu.wait_indirect_dma semaphore(%arg8 : memref<!tpu.dma_semaphore, #tpu.memory_space<semaphore_mem>>) src(%dma_wait3A_118 : memref<1000000x64xf32, #tpu.memory_space<hbm>>) dst(%dma_wait3A_112 : memref<128x64xf32, #tpu.memory_space<vmem>>)
      %mul3A_119 = arith.constant 128 : i32
      %mul3A_120 = arith.muli %add3A_107, %mul3A_119 : i32
      %add3A_121 = arith.addi %mul3A_2, %mul3A_120 : i32
      %jit3A_122 = arith.constant 16384 : i32
      %div3A_123 = arith.divsi %add3A_121, %jit3A_122 : i32
      %sign3A_124 = arith.constant 0 : i32
      %sign3A_125 = arith.cmpi sgt, %add3A_121, %sign3A_124 : i32
      %sign3A_126 = arith.extui %sign3A_125 : i1 to i32
      %sign3A_127 = arith.constant 0 : i32
      %sign3A_128 = arith.cmpi slt, %add3A_121, %sign3A_127 : i32
      %sign3A_129 = arith.extui %sign3A_128 : i1 to i32
      %sign3A_130 = arith.subi %sign3A_126, %sign3A_129 : i32
      %sign3A_131 = arith.constant 0 : i32
      %sign3A_132 = arith.cmpi sgt, %jit3A_122, %sign3A_131 : i32
      %sign3A_133 = arith.extui %sign3A_132 : i1 to i32
      %sign3A_134 = arith.constant 0 : i32
      %sign3A_135 = arith.cmpi slt, %jit3A_122, %sign3A_134 : i32
      %sign3A_136 = arith.extui %sign3A_135 : i1 to i32
      %sign3A_137 = arith.subi %sign3A_133, %sign3A_136 : i32
      %ne3A_138 = arith.cmpi ne, %sign3A_130, %sign3A_137 : i32
      %rem3A_139 = arith.remsi %add3A_121, %jit3A_122 : i32
      %ne3A_140 = arith.constant 0 : i32
      %ne3A_141 = arith.cmpi ne, %rem3A_139, %ne3A_140 : i32
      %and3A_142 = arith.andi %ne3A_138, %ne3A_141 : i1
      %sub3A_143 = arith.constant 1 : i32
      %sub3A_144 = arith.subi %div3A_123, %sub3A_143 : i32
      %select_n3A_145 = arith.select %and3A_142, %sub3A_144, %div3A_123 : i32
      %mul3A_146 = arith.constant 16384 : i32
      %mul3A_147 = arith.muli %select_n3A_145, %mul3A_146 : i32
      %sub3A_148 = arith.subi %add3A_121, %mul3A_147 : i32
      %jit3A_149 = arith.constant 8192 : i32
      %div3A_150 = arith.divsi %sub3A_148, %jit3A_149 : i32
      %sign3A_151 = arith.constant 0 : i32
      %sign3A_152 = arith.cmpi sgt, %sub3A_148, %sign3A_151 : i32
      %sign3A_153 = arith.extui %sign3A_152 : i1 to i32
      %sign3A_154 = arith.constant 0 : i32
      %sign3A_155 = arith.cmpi slt, %sub3A_148, %sign3A_154 : i32
      %sign3A_156 = arith.extui %sign3A_155 : i1 to i32
      %sign3A_157 = arith.subi %sign3A_153, %sign3A_156 : i32
      %sign3A_158 = arith.constant 0 : i32
      %sign3A_159 = arith.cmpi sgt, %jit3A_149, %sign3A_158 : i32
      %sign3A_160 = arith.extui %sign3A_159 : i1 to i32
      %sign3A_161 = arith.constant 0 : i32
      %sign3A_162 = arith.cmpi slt, %jit3A_149, %sign3A_161 : i32
      %sign3A_163 = arith.extui %sign3A_162 : i1 to i32
      %sign3A_164 = arith.subi %sign3A_160, %sign3A_163 : i32
      %ne3A_165 = arith.cmpi ne, %sign3A_157, %sign3A_164 : i32
      %rem3A_166 = arith.remsi %sub3A_148, %jit3A_149 : i32
      %ne3A_167 = arith.constant 0 : i32
      %ne3A_168 = arith.cmpi ne, %rem3A_166, %ne3A_167 : i32
      %and3A_169 = arith.andi %ne3A_165, %ne3A_168 : i1
      %sub3A_170 = arith.constant 1 : i32
      %sub3A_171 = arith.subi %div3A_150, %sub3A_170 : i32
      %select_n3A_172 = arith.select %and3A_169, %sub3A_171, %div3A_150 : i32
      %mul3A_173 = arith.constant 8192 : i32
      %mul3A_174 = arith.muli %select_n3A_172, %mul3A_173 : i32
      %sub3A_175 = arith.subi %sub3A_148, %mul3A_174 : i32
      %mul3A_176 = arith.constant 8192 : i32
      %mul3A_177 = arith.muli %select_n3A_145, %mul3A_176 : i32
      %add3A_178 = arith.addi %mul3A_177, %sub3A_175 : i32
      %mul3A_179 = arith.constant 64 : i32
      %mul3A_180 = arith.muli %select_n3A_172, %mul3A_179 : i32
      %run_scoped3A_181 = arith.constant 1 : i32
      "tpu.region"() ({
        %run_scoped3A_190 = tpu.sem_alloc : memref<!tpu.dma_semaphore, #tpu.memory_space<semaphore_mem>>
        %dma_start3A_191 = arith.constant 0 : i32
        %dma_start3A_192 = arith.constant 0 : i32
        %dma_start3A_193 = tpu.memref_slice %arg6[%run_scoped3A_181, %dma_start3A_191, %dma_start3A_192] : memref<2x128x64xf32, #tpu.memory_space<vmem>> -> memref<1x128x64xf32, #tpu.memory_space<vmem>>
        %dma_start3A_194 = tpu.memref_squeeze %dma_start3A_193 : memref<1x128x64xf32, #tpu.memory_space<vmem>> -> memref<128x64xf32, #tpu.memory_space<vmem>>
        %dma_start3A_195 = tpu.memref_slice %arg4[%add3A_178, %mul3A_180] : memref<204800x128xf32, #tpu.memory_space<hbm>> -> memref<128x64xf32, #tpu.memory_space<hbm>>
        %dma_start3A_196 = tpu.memref_slice %arg4[%add3A_178, %mul3A_180] : memref<204800x128xf32, #tpu.memory_space<hbm>> -> memref<128x64xf32, #tpu.memory_space<hbm>>
        %dma_start3A_197 = arith.constant 0 : i32
        %dma_start3A_198 = arith.constant 0 : i32
        %dma_start3A_199 = tpu.memref_slice %arg6[%run_scoped3A_181, %dma_start3A_197, %dma_start3A_198] : memref<2x128x64xf32, #tpu.memory_space<vmem>> -> memref<1x128x64xf32, #tpu.memory_space<vmem>>
        %dma_start3A_200 = tpu.memref_squeeze %dma_start3A_199 : memref<1x128x64xf32, #tpu.memory_space<vmem>> -> memref<128x64xf32, #tpu.memory_space<vmem>>
        tpu.enqueue_dma source(%dma_start3A_200 : memref<128x64xf32, #tpu.memory_space<vmem>>) target(%dma_start3A_196 : memref<128x64xf32, #tpu.memory_space<hbm>>) target_semaphore(%run_scoped3A_190 : memref<!tpu.dma_semaphore, #tpu.memory_space<semaphore_mem>>)
        %dma_wait3A_201 = arith.constant 0 : i32
        %dma_wait3A_202 = arith.constant 0 : i32
        %dma_wait3A_203 = tpu.memref_slice %arg6[%run_scoped3A_181, %dma_wait3A_201, %dma_wait3A_202] : memref<2x128x64xf32, #tpu.memory_space<vmem>> -> memref<1x128x64xf32, #tpu.memory_space<vmem>>
        %dma_wait3A_204 = tpu.memref_squeeze %dma_wait3A_203 : memref<1x128x64xf32, #tpu.memory_space<vmem>> -> memref<128x64xf32, #tpu.memory_space<vmem>>
        %dma_wait3A_205 = tpu.memref_slice %arg4[%add3A_178, %mul3A_180] : memref<204800x128xf32, #tpu.memory_space<hbm>> -> memref<128x64xf32, #tpu.memory_space<hbm>>
        %dma_wait3A_206 = tpu.memref_slice %arg4[%add3A_178, %mul3A_180] : memref<204800x128xf32, #tpu.memory_space<hbm>> -> memref<128x64xf32, #tpu.memory_space<hbm>>
        %dma_wait3A_207 = arith.constant 0 : i32
        %dma_wait3A_208 = arith.constant 0 : i32
        %dma_wait3A_209 = tpu.memref_slice %arg6[%run_scoped3A_181, %dma_wait3A_207, %dma_wait3A_208] : memref<2x128x64xf32, #tpu.memory_space<vmem>> -> memref<1x128x64xf32, #tpu.memory_space<vmem>>
        %dma_wait3A_210 = tpu.memref_squeeze %dma_wait3A_209 : memref<1x128x64xf32, #tpu.memory_space<vmem>> -> memref<128x64xf32, #tpu.memory_space<vmem>>
        tpu.wait_dma2 semaphore(%run_scoped3A_190 : memref<!tpu.dma_semaphore, #tpu.memory_space<semaphore_mem>>) src(%dma_wait3A_210 : memref<128x64xf32, #tpu.memory_space<vmem>>) dst(%dma_wait3A_206 : memref<128x64xf32, #tpu.memory_space<hbm>>)
        tpu.yield
      }) : () -> ()
      %add3A_182 = arith.constant 2 : i32
      %add3A_183 = arith.addi %add3A_107, %add3A_182 : i32
      %lt3A_184 = arith.constant 100 : i32
      %lt3A_185 = arith.cmpi slt, %add3A_183, %lt3A_184 : i32
      %convert_element_type3A_186 = arith.extui %lt3A_185 : i1 to i32
      %cond3A_187 = arith.constant 0 : i32
      %cond3A_188 = arith.cmpi ne, %convert_element_type3A_186, %cond3A_187 : i32
      scf.if %cond3A_188 {
        %add3A_190 = arith.constant 2 : i32
        %add3A_191 = arith.addi %add3A_107, %add3A_190 : i32
        %dma_start3A_192 = arith.constant 1 : i32
        %dma_start3A_193 = arith.constant 0 : i32
        %dma_start3A_194 = arith.constant 0 : i32
        %dma_start3A_195 = tpu.memref_slice %arg6[%dma_start3A_192, %dma_start3A_193, %dma_start3A_194] : memref<2x128x64xf32, #tpu.memory_space<vmem>> -> memref<1x128x64xf32, #tpu.memory_space<vmem>>
        %dma_start3A_196 = tpu.memref_squeeze %dma_start3A_195 : memref<1x128x64xf32, #tpu.memory_space<vmem>> -> memref<128x64xf32, #tpu.memory_space<vmem>>
        %dma_start3A_197 = arith.constant 0 : i32
        %dma_start3A_198 = tpu.memref_slice %arg5[%add3A_191, %dma_start3A_197] : memref<100x128xi32, #tpu.memory_space<vmem>> -> memref<1x128xi32, #tpu.memory_space<vmem>>
        %dma_start3A_199 = tpu.memref_squeeze %dma_start3A_198 : memref<1x128xi32, #tpu.memory_space<vmem>> -> memref<128xi32, #tpu.memory_space<vmem>>
        %dma_start3A_200 = arith.constant 0 : i32
        %dma_start3A_201 = arith.constant 0 : i32
        %dma_start3A_202 = tpu.memref_slice %arg2[%dma_start3A_200, %dma_start3A_201] : memref<1000000x64xf32, #tpu.memory_space<hbm>> -> memref<1000000x64xf32, #tpu.memory_space<hbm>>
        tpu.enqueue_indirect_dma source(%dma_start3A_202 : memref<1000000x64xf32, #tpu.memory_space<hbm>>) target(%dma_start3A_196 : memref<128x64xf32, #tpu.memory_space<vmem>>) offsets(%dma_start3A_199 : memref<128xi32, #tpu.memory_space<vmem>>) semaphore(%arg8 : memref<!tpu.dma_semaphore, #tpu.memory_space<semaphore_mem>>)
      } else {
      }
      %scan3A_189 = arith.constant 0 : i32
      scf.yield %scan3A_189 : i32
    }
    %scan3A_31 = arith.constant 50 : i32
    return
  }
}

module attributes {stable_mosaic.version = 14 : i64} {
  func.func @body(%arg0: i32, %arg1: memref<8192x128xf32, #tpu.memory_space<vmem>>, %arg2: memref<128x128xf32, #tpu.memory_space<vmem>>, %arg3: memref<64x16384xf32, #tpu.memory_space<vmem>>) attributes {dimension_semantics = [#tpu.dimension_semantics<arbitrary>], iteration_bounds = array<i64: 25>, scalar_prefetch = 0 : i64, scratch_operands = 0 : i64, tpu.core_type = #tpu.core_type<tc>, window_params = [{transform_indices = @transform_0, window_bounds = array<i64: 8192, 128>}, {pipeline_mode = #tpu.pipeline_mode<synchronous>, transform_indices = @transform_1, window_bounds = array<i64: 128, 128>}, {transform_indices = @transform_2, window_bounds = array<i64: 64, 16384>}]} {
    %get3A = arith.constant 0 : index
    %get3A_0 = arith.constant 0 : index
    %get3A_1 = vector.load %arg2[%get3A, %get3A_0] : memref<128x128xf32, #tpu.memory_space<vmem>>, vector<128x128xf32>
    %get3A_2 = arith.constant 0 : index
    %get3A_3 = arith.constant 0 : index
    %get3A_4 = vector.load %arg1[%get3A_2, %get3A_3] : memref<8192x128xf32, #tpu.memory_space<vmem>>, vector<8192x128xf32>
    %dot_general3A = arith.constant dense<0.000000e+00> : vector<128x8192xf32>
    %dot_general3A_5 = tpu.matmul %get3A_1, %get3A_4, %dot_general3A {dimension_numbers = #tpu.dot_dimension_numbers<[1], [1], [0], [0], [0, 0, 1, 0], [], []>, transpose_lhs_hint = false} : vector<128x128xf32>, vector<8192x128xf32>, vector<128x8192xf32> -> vector<128x8192xf32>
    %mul3A = arith.constant 5.000000e-01 : f32
    %mul3A_6 = vector.broadcast %mul3A : f32 to vector<128x8192xf32>
    %mul3A_7 = arith.mulf %mul3A_6, %dot_general3A_5 : vector<128x8192xf32>
    %mul3A_8 = arith.constant 0.707106769 : f32
    %mul3A_9 = vector.broadcast %mul3A_8 : f32 to vector<128x8192xf32>
    %mul3A_10 = arith.mulf %dot_general3A_5, %mul3A_9 : vector<128x8192xf32>
    %erf3A = math.erf %mul3A_10 : vector<128x8192xf32>
    %add3A = arith.constant 1.000000e+00 : f32
    %add3A_11 = vector.broadcast %add3A : f32 to vector<128x8192xf32>
    %add3A_12 = arith.addf %add3A_11, %erf3A : vector<128x8192xf32>
    %mul3A_13 = arith.mulf %mul3A_7, %add3A_12 : vector<128x8192xf32>
    %slice3A = vector.extract_strided_slice %mul3A_13 {offsets = [0, 0], sizes = [64, 8192], strides = [1, 1]} : vector<128x8192xf32> to vector<64x8192xf32>
    %swap3A = arith.constant 0 : index
    %swap3A_14 = arith.constant 0 : index
    %swap3A_15 = vector.load %arg3[%swap3A, %swap3A_14] : memref<64x16384xf32, #tpu.memory_space<vmem>>, vector<64x8192xf32>
    tpu.vector_store %arg3[%swap3A, %swap3A_14], %slice3A {strides = array<i32>} : memref<64x16384xf32, #tpu.memory_space<vmem>>, vector<64x8192xf32>,
    %slice3A_16 = vector.extract_strided_slice %mul3A_13 {offsets = [64, 0], sizes = [64, 8192], strides = [1, 1]} : vector<128x8192xf32> to vector<64x8192xf32>
    %swap3A_17 = arith.constant 0 : index
    %swap3A_18 = arith.constant 8192 : index
    %swap3A_19 = vector.load %arg3[%swap3A_17, %swap3A_18] : memref<64x16384xf32, #tpu.memory_space<vmem>>, vector<64x8192xf32>
    tpu.vector_store %arg3[%swap3A_17, %swap3A_18], %slice3A_16 {strides = array<i32>} : memref<64x16384xf32, #tpu.memory_space<vmem>>, vector<64x8192xf32>,
    return
  }
  func.func @transform_0(%arg0: i32) -> (i32, i32) {
    %c0_i32 = arith.constant 0 : i32
    %c0_i32_0 = arith.constant 0 : i32
    return %arg0, %c0_i32 : i32, i32
  }
  func.func @transform_1(%arg0: i32) -> (i32, i32) {
    %c0_i32 = arith.constant 0 : i32
    %c0_i32_0 = arith.constant 0 : i32
    %c0_i32_1 = arith.constant 0 : i32
    return %c0_i32, %c0_i32_0 : i32, i32
  }
  func.func @transform_2(%arg0: i32) -> (i32, i32) {
    %add3A = arith.constant 0 : i32
    %add3A_0 = arith.addi %arg0, %add3A : i32
    %c0_i32 = arith.constant 0 : i32
    %c0_i32_1 = arith.constant 0 : i32
    return %add3A_0, %c0_i32 : i32, i32
  }
}

module attributes {stable_mosaic.version = 14 : i64} {
  func.func @body(%arg0: i32, %arg1: memref<8192x128xf32, #tpu.memory_space<vmem>>, %arg2: memref<128x128xf32, #tpu.memory_space<vmem>>, %arg3: memref<8x128xf32, #tpu.memory_space<vmem>>, %arg4: memref<64x16384xf32, #tpu.memory_space<vmem>>) attributes {dimension_semantics = [#tpu.dimension_semantics<arbitrary>], iteration_bounds = array<i64: 25>, scalar_prefetch = 0 : i64, scratch_operands = 0 : i64, tpu.core_type = #tpu.core_type<tc>, window_params = [{transform_indices = @transform_0, window_bounds = array<i64: 8192, 128>}, {pipeline_mode = #tpu.pipeline_mode<synchronous>, transform_indices = @transform_1, window_bounds = array<i64: 128, 128>}, {transform_indices = @transform_2, window_bounds = array<i64: 8, 128>}, {transform_indices = @transform_3, window_bounds = array<i64: 64, 16384>}]} {
    %get3A = arith.constant 0 : index
    %get3A_0 = arith.constant 0 : index
    %get3A_1 = vector.load %arg2[%get3A, %get3A_0] : memref<128x128xf32, #tpu.memory_space<vmem>>, vector<128x128xf32>
    %get3A_2 = arith.constant 0 : index
    %get3A_3 = arith.constant 0 : index
    %get3A_4 = vector.load %arg1[%get3A_2, %get3A_3] : memref<8192x128xf32, #tpu.memory_space<vmem>>, vector<8192x128xf32>
    %dot_general3A = arith.constant dense<0.000000e+00> : vector<128x8192xf32>
    %dot_general3A_5 = tpu.matmul %get3A_1, %get3A_4, %dot_general3A {dimension_numbers = #tpu.dot_dimension_numbers<[1], [1], [0], [0], [0, 0, 1, 0], [], []>, transpose_lhs_hint = false} : vector<128x128xf32>, vector<8192x128xf32>, vector<128x8192xf32> -> vector<128x8192xf32>
    %mul3A = arith.constant 5.000000e-01 : f32
    %mul3A_6 = vector.broadcast %mul3A : f32 to vector<128x8192xf32>
    %mul3A_7 = arith.mulf %mul3A_6, %dot_general3A_5 : vector<128x8192xf32>
    %mul3A_8 = arith.constant 0.707106769 : f32
    %mul3A_9 = vector.broadcast %mul3A_8 : f32 to vector<128x8192xf32>
    %mul3A_10 = arith.mulf %dot_general3A_5, %mul3A_9 : vector<128x8192xf32>
    %erf3A = math.erf %mul3A_10 : vector<128x8192xf32>
    %add3A = arith.constant 1.000000e+00 : f32
    %add3A_11 = vector.broadcast %add3A : f32 to vector<128x8192xf32>
    %add3A_12 = arith.addf %add3A_11, %erf3A : vector<128x8192xf32>
    %mul3A_13 = arith.mulf %mul3A_7, %add3A_12 : vector<128x8192xf32>
    %slice3A = vector.extract_strided_slice %mul3A_13 {offsets = [0, 0], sizes = [64, 8192], strides = [1, 1]} : vector<128x8192xf32> to vector<64x8192xf32>
    %swap3A = arith.constant 0 : index
    %swap3A_14 = arith.constant 0 : index
    %swap3A_15 = vector.load %arg4[%swap3A, %swap3A_14] : memref<64x16384xf32, #tpu.memory_space<vmem>>, vector<64x8192xf32>
    tpu.vector_store %arg4[%swap3A, %swap3A_14], %slice3A {strides = array<i32>} : memref<64x16384xf32, #tpu.memory_space<vmem>>, vector<64x8192xf32>,
    %slice3A_16 = vector.extract_strided_slice %mul3A_13 {offsets = [64, 0], sizes = [64, 8192], strides = [1, 1]} : vector<128x8192xf32> to vector<64x8192xf32>
    %swap3A_17 = arith.constant 0 : index
    %swap3A_18 = arith.constant 8192 : index
    %swap3A_19 = vector.load %arg4[%swap3A_17, %swap3A_18] : memref<64x16384xf32, #tpu.memory_space<vmem>>, vector<64x8192xf32>
    tpu.vector_store %arg4[%swap3A_17, %swap3A_18], %slice3A_16 {strides = array<i32>} : memref<64x16384xf32, #tpu.memory_space<vmem>>, vector<64x8192xf32>,
    return
  }
  func.func @transform_0(%arg0: i32) -> (i32, i32) {
    %c0_i32 = arith.constant 0 : i32
    %c0_i32_0 = arith.constant 0 : i32
    return %arg0, %c0_i32 : i32, i32
  }
  func.func @transform_1(%arg0: i32) -> (i32, i32) {
    %c0_i32 = arith.constant 0 : i32
    %c0_i32_0 = arith.constant 0 : i32
    %c0_i32_1 = arith.constant 0 : i32
    return %c0_i32, %c0_i32_0 : i32, i32
  }
  func.func @transform_2(%arg0: i32) -> (i32, i32) {
    %c0_i32 = arith.constant 0 : i32
    %c0_i32_0 = arith.constant 0 : i32
    %c0_i32_1 = arith.constant 0 : i32
    return %c0_i32, %c0_i32_0 : i32, i32
  }
  func.func @transform_3(%arg0: i32) -> (i32, i32) {
    %add3A = arith.constant 25 : i32
    %add3A_0 = arith.addi %arg0, %add3A : i32
    %c0_i32 = arith.constant 0 : i32
    %c0_i32_1 = arith.constant 0 : i32
    return %add3A_0, %c0_i32 : i32, i32
  }
}

</mosaic_0001>

<sc_bundles>
// kernel: kernel.6.cloned.1.call-start
scs
__scs_entry_jumppad:
0x0: {  	(pc) =	sbr.rel $0x88, $3  }
0x1: {  	(tag) =	ssettag $0x0;
	lr =	simm.s32 $0x1  }
0x2: {  	[smem:$0x3F9E] =	sst lr;
	_ =	strace $0xD0000000  }
0x3: {  	_ = 	snop  }
0x4: {  	_ = 	snop  }
0x5: {  	_ = 	snop  }
0x6: {  	_ = 	snop  }
0x7: {  	_ = 	snop  }
__scs_overlays_trampoline_lowered:
0x8: {  	[smem:$0x3FAD] =	sst s0  }
0x9: {  	[smem:$0x3FAE] =	sst s1  }
0xa: {  	[smem:$0x3FAF] =	sst s2  }
0xb: {  	[smem:$0x3FB0] =	sst s3  }
0xc: {  	[smem:$0x3FB1] =	sst s4  }
0xd: {  	[smem:$0x3FB2] =	sst s5  }
0xe: {  	[smem:$0x3FB3] =	sst s6  }
0xf: {  	[smem:$0x3FB4] =	sst s7  }
0x10: {  	[smem:$0x3FB5] =	sst s8  }
0x11: {  	[smem:$0x3FB6] =	sst s9;
	s0 =	simm.s32 @!p0 $0x0  }
0x12: {  	s1 =	sld [smem:$0x3F9C];
	s0 =	simm.s32 @p0 $0x1  }
0x13: {  	[smem:$0x3FB7] =	sst s0;
	s0 =	simm.s32 @!p1 $0x0  }
0x14: {  	s2 =	sld [smem:$0x3F9B];
	s0 =	simm.s32 @p1 $0x1  }
0x15: {  	[smem:$0x3FB8] =	sst s0;
	s0 =	simm.s32 @!p2 $0x0  }
0x16: {  	s3 =	sld [smem:$0x3FDB];
	s0 =	simm.s32 @p2 $0x1  }
0x17: {  	s4 =	simm.s32 $0x1BF5;
	[smem:$0x3FBA] =	sst s0  }
0x18: {  	s0 =	sld [smem:$0x3F9D];
	_ =	swait.ge [sflag:s4], $0x0  }
0x19: {  	s7 =	sld [smem:$0x3F9E]  }
0x1a: {  	s8 =	sadd.s32 $0xFFFFE003, lr  }
0x1b: {  	s9 =	sadd.s32 $0xFFFFFEF7, lr;
	s5 =	simm.s32 $0xFFFFFFFF;
	p2 =	slt.u32 s8, $0xFFFFF086  }
0x1c: {  	p1 =	slt.u32 s9, $0xF7A;
	s5 =	simm.s32 @!p2 $0x0  }
0x1d: {  	s5 =	simm.s32 @p1 $0x1;
	p0 =	seq.s32 s7, s2  }
0x1e: {  	s7 =	smul.u32 @!p0 $0xF7A, s2;
	p2 =	seq.s32 @!p0 s5, $0x0  }
0x1f: {  	s9 =	smul.u32 $0xF7A, s1;
	s8 =	simm.s32 @!p0 $0x1BF5;
	p2 =	por !p2, p0  }
0x20: {  	[sflag:s8] =	ssyncset.s32 @!p0 $0xFFFFF086;
	s6 =	sadd.s32 @!p0 s3, s7;
	s7 =	simm.s32 @!p0 $0x108  }
0x21: {  	s3 =	sadd.s32 s3, s9;
	s6 =	sadd.s32 @!p0 $0x88, s6;
	s7 =	simm.s32 @p2 $0x1082  }
0x22: {  	[simem:s7], [sflag:s8] =	dma.local @!p0 [hbm:s6], $0xF7A  }
0x23: {  	s9 =	sor.u32 $0xD0000000, s2;
	s6 =	simm.s32 $0x108;
	_ =	swait.ge @!p0 [sflag:s8], $0x0  }
0x24: {  	s3 =	sadd.s32 $0x88, s3;
	s6 =	simm.s32 @!p1 $0x1082;
	[sflag:s4] =	ssyncset.s32 $0xFFFFF086  }
0x25: {  	[simem:s6], [sflag:s4] =	dma.local [hbm:s3], $0xF7A  }
0x26: {  	[smem:$0x3F9E] =	sst s1;
	(tag) =	ssettag s2;
	_ =	strace s9  }
0x27: {  	s1 =	sld [smem:$0x3FAE]  }
0x28: {  	s2 =	sld [smem:$0x3FAF]  }
0x29: {  	s4 =	sld [smem:$0x3FB1]  }
0x2a: {  	p0 =	seq.s32 s5, $0x0;
	s5 =	sld [smem:$0x3FB2]  }
0x2b: {  	s6 =	sld [smem:$0x3FB3]  }
0x2c: {  	s7 =	sld [smem:$0x3FB4]  }
0x2d: {  	s3 =	simm.s32 $0x108;
	s8 =	sld [smem:$0x3FB5]  }
0x2e: {  	s3 =	simm.s32 @!p0 $0x1082;
	s9 =	sld [smem:$0x3FB6]  }
0x2f: {  	lr =	sadd.s32 s0, s3;
	s0 =	sld [smem:$0x3FAD]  }
0x30: {  	s3 =	sld [smem:$0x3FB0]  }
0x31: {  	[smem:$0x3FB9] =	sst s10  }
0x32: {  	s10 =	sld [smem:$0x3FB7];
	_ =	sdelay $0x3  }
0x33: {  	p0 =	seq.s32 s10, $0x1;
	s10 =	sld [smem:$0x3FB9];
	_ =	sdelay $0x3  }
0x34: {  	[smem:$0x3FB9] =	sst s10  }
0x35: {  	s10 =	sld [smem:$0x3FB8];
	_ =	sdelay $0x3  }
0x36: {  	p1 =	seq.s32 s10, $0x1;
	s10 =	sld [smem:$0x3FB9];
	_ =	sdelay $0x3  }
0x37: {  	[smem:$0x3FB9] =	sst s10  }
0x38: {  	s10 =	sld [smem:$0x3FBA]  }
0x39: {  	_ = 	snop;
	(pc) =	sbr.ind lr, $3  }
0x3a: {  	_ = 	snop  }
0x3b: {  	_ = 	snop  }
0x3c: {  	p2 =	seq.s32 s10, $0x1;
	s10 =	sld [smem:$0x3FB9]  }
0x3d: {  	_ =	shalt  }
0x3e: {  	_ =	shalt  }
0x3f: {  	_ =	shalt  }
0x40: {  	_ =	shalt  }
0x41: {  	_ =	shalt  }
0x42: {  	_ =	shalt  }
0x43: {  	_ =	shalt  }
0x44: {  	_ =	shalt  }
0x45: {  	_ =	shalt  }
0x46: {  	_ =	shalt  }
0x47: {  	_ =	shalt  }
0x48: {  	_ =	shalt  }
0x49: {  	_ =	shalt  }
0x4a: {  	_ =	shalt  }
0x4b: {  	_ =	shalt  }
0x4c: {  	_ =	shalt  }
0x4d: {  	_ =	shalt  }
0x4e: {  	_ =	shalt  }
0x4f: {  	_ =	shalt  }
0x50: {  	_ =	shalt  }
0x51: {  	_ =	shalt  }
0x52: {  	_ =	shalt  }
0x53: {  	_ =	shalt  }
0x54: {  	_ =	shalt  }
0x55: {  	_ =	shalt  }
0x56: {  	_ =	shalt  }
0x57: {  	_ =	shalt  }
0x58: {  	_ =	shalt  }
0x59: {  	_ =	shalt  }
0x5a: {  	_ =	shalt  }
0x5b: {  	_ =	shalt  }
0x5c: {  	_ =	shalt  }
0x5d: {  	_ =	shalt  }
0x5e: {  	_ =	shalt  }
0x5f: {  	_ =	shalt  }
0x60: {  	_ =	shalt  }
0x61: {  	_ =	shalt  }
0x62: {  	_ =	shalt  }
0x63: {  	_ =	shalt  }
0x64: {  	_ =	shalt  }
0x65: {  	_ =	shalt  }
0x66: {  	_ =	shalt  }
0x67: {  	_ =	shalt  }
0x68: {  	_ =	shalt  }
0x69: {  	_ =	shalt  }
0x6a: {  	_ =	shalt  }
0x6b: {  	_ =	shalt  }
0x6c: {  	_ =	shalt  }
0x6d: {  	_ =	shalt  }
0x6e: {  	_ =	shalt  }
0x6f: {  	_ =	shalt  }
0x70: {  	_ =	shalt  }
0x71: {  	_ =	shalt  }
0x72: {  	_ =	shalt  }
0x73: {  	_ =	shalt  }
0x74: {  	_ =	shalt  }
0x75: {  	_ =	shalt  }
0x76: {  	_ =	shalt  }
0x77: {  	_ =	shalt  }
0x78: {  	_ =	shalt  }
0x79: {  	_ =	shalt  }
0x7a: {  	_ =	shalt  }
0x7b: {  	_ =	shalt  }
0x7c: {  	_ =	shalt  }
0x7d: {  	_ =	shalt  }
0x7e: {  	_ =	shalt  }
0x7f: {  	_ =	shalt  }
0x80: {  	_ =	shalt  }
0x81: {  	_ =	shalt  }
0x82: {  	_ =	shalt  }
0x83: {  	_ =	shalt  }
0x84: {  	_ =	shalt  }
0x85: {  	_ =	shalt  }
0x86: {  	_ =	shalt  }
0x87: {  	_ =	shalt  }
.Lfunc_end0:
.L_simem_size_0:
called_computation_lowered:
.L_overlay_start_0:
0x88: {  	s2 =	sld [smem:$0x3FD9]  }
0x89: {  	s3 =	sld [smem:$0x3FFE];
	_ =	sdelay $0x1  }
0x8a: {  	s1 =	srdreg.scid  }
0x8b: {  	s0 =	sand.u32 $0x1, s1  }
0x8c: {  	s16 =	sshll.u32 s0, $0xA;
	s2 =	sadd.s32 s3, s2  }
0x8d: {  	s2 =	sadd.s32 s2, s16  }
0x8e: {  	[smem:$0x3FC5] =	sst s2  }
0x8f: {  	_ = 	snop  }
0x90: {  	(tm) =	ssettm $0x1  }
0x91: {  	s17 =	sld [smem:$0x3FFB];
	_ =	sdelay $0x3  }
0x92: {  	_ =	strace s17  }
0x93: {  	s2 =	sld [smem:$0x3FFC];
	_ =	sdelay $0x3  }
0x94: {  	_ =	strace s2  }
0x95: {  	s2 =	sld [smem:$0x3FFD];
	_ =	sdelay $0x3  }
0x96: {  	_ =	strace s2  }
0x97: {  	_ =	strace $0x8FFFFFFF  }
0x98: {  	s18 =	sld [smem:$0x3FDB];
	_ =	sdelay $0x1  }
0x99: {  	s19 =	simm.s32 $_scs_section_size  }
0x9a: {  	s4 =	simm.s32 $_size__tile_overlayer_lowered;
	s5 =	simm.s32 $_tile_overlayer_lowered  }
0x9b: {  	s22 =	simm.s32 $0x1BFF;
	s21 =	sshll.u32 s5, $0x1;
	s2 =	sadd.s32 s19, s18  }
0x9c: {  	s6 =	simm.s32 $0x0;
	s20 =	sshll.u32 s4, $0x1;
	s4 =	sadd.s32 s21, s2  }
0x9d: {  	[timem:s6], [sflag:s22] =	dma.local [hbm:s4], s20  }
0x9e: {  	_ =	swait.ge [sflag:s22], s20  }
0x9f: {  	s3 =	ssub.s32 $0x0, s20;
	[sflag:s22] =	ssyncset.done $0x0  }
0xa0: {  	[sflag:s22] =	ssyncadd.s32 s3;
	_ =	sdelay $0x1  }
0xa1: {  	s23 =	simm.s32 $0x1B8B  }
0xa2: {  	_ =	swait.ge [sflag:s23], $0x1  }
0xa3: {  	[sflag:s23] =	ssyncset.done $0x0  }
0xa4: {  	s25 =	simm.s32 $0x1B8E;
	s24 =	sld [smem:$0x3FFE];
	[sflag:s23] =	ssyncadd.s32 $0xFFFFFFFF  }
0xa5: {  	s26 =	simm.s32 $execute0_lowered;
	[smem:$0x3FD2] =	sst s25  }
0xa6: {  	s4 =	sshll.u32 s26, $0x1;
	_ =	strace $0x80000046;
	[dreg:$0x1] =	wrdreg $0xFFFFFFFF  }
0xa7: {  	s28 =	simm.s32 $_size_execute0_lowered;
	s2 =	sadd.s32 s2, s4;
	[dreg:$0x0] =	wrdreg $0x0  }
0xa8: {  	s4 =	sshll.u32 s28, $0x1;
	[dreg:$0x2] =	wrdreg s2  }
0xa9: {  	[dreg:$0x3] =	wrdreg s4  }
0xaa: {  	[dreg:$0x4] =	wrdreg $0xC0  }
0xab: {  	_ =	task [dreg:s6], $0x5FFFF  }
0xac: {  	[dreg:$0x1] =	wrdreg $0xFFFFFFFF  }
0xad: {  	[dreg:$0x0] =	wrdreg $0x60  }
0xae: {  	[dreg:$0x2] =	wrdreg s24  }
0xaf: {  	[dreg:$0x3] =	wrdreg $0x9  }
0xb0: {  	_ =	task.clear_ibuf [dreg:s6], $0x4FFFF;
	_ =	strace $0x90000046  }
0xb1: {  	s29 =	simm.s32 $0x9;
	_ =	strace $0x80000048  }
0xb2: {  	_ =	swait.ge [sflag:s29], $0x1  }
0xb3: {  	[sflag:s29] =	ssyncadd.s32 $0xFFFFFFFF  }
0xb4: {  	_ =	strace $0x90000048  }
0xb5: {  	_ =	sfence  }
0xb6: {  	s30 =	sld [smem:$0x0];
	_ =	sdelay $0x2  }
0xb7: {  	s31 =	sshll.u32 s1, $0xD;
	s1 =	sshrl.u32 s1, $0x2  }
0xb8: {  	s3 =	sand.u32 $0x4000, s31;
	s1 =	sadd.s32 s1, s30  }
0xb9: {  	s0 =	sor.u32 s3, s0;
	s1 =	sshll.u32 s1, $0x11  }
0xba: {  	s0 =	sor.u32 s1, s0  }
0xbb: {  	s0 =	sadd.s32 $0x8F2B, s0  }
0xbc: {  	[sflag:s0] =	ssyncadd.remote.s32 $0x1  }
0xbd: {  	_ =	sfence.sel $0xFFFF  }
0xbe: {  	[dreg:$0x0] =	wrdreg $0xFFFFFFFF;
	(pc) =	sbr.abs _section_cstart, $3  }
0xbf: {  	[dreg:$0x1] =	wrdreg $0xFFFFFFFF  }
0xc0: {  	_ =	task.clear_ibuf [dreg:s6], $0x2FFFF;
	_ =	strace $0x9FFFFFFF  }
0xc1: {  	(tm) =	ssettm $0x7FFFFFFF  }
tec
execute0_lowered:
.L_overlay_start_1:
0x0: {  	(tag) =	ssettag $0x1  }
0x1: {  	s1 =	srdreg.scid;
	s0 =	stileid.u32  }
0x2: {  	s4 =	rddreg [dreg:$0x0];
	s2 =	simm.s32 $0x0;
	s14 =	simm.s32 $0x1  }
0x3: {  	s15 =	simm.s32 $0x40;
	s16 =	simm.s32 $0x2;
	s17 =	simm.s32 $0x0  }
0x4: {  	s7 =	sand.u32 $0x1, s1;
	s1 =	rddreg [dreg:$0x1];
	s12 =	smul.u32 $0x190000, s0  }
0x5: {  	s3 =	sshll.u32 s0, $0x1;
	[smem:$0x7FF] =	sst s2;
	s28 =	smul.u32 $0x6400, s0  }
0x6: {  	s3 =	sor.u32 s7, s3;
	s6 =	ssub.s32 $0x2, s7;
	s13 =	smul.u32 $0xC8000, s7  }
0x7: {  	_ =	strace $0x80000047;
	s29 =	smul.u32 $0x3200, s7;
	s9 =	sshrl.u32 s6, $0x1  }
0x8: {  	s8 =	smul.u32 $0x3200, s3;
	s3 =	sadd.s32 $0xF43400, s4;
	s6 =	ssub.s32 s6, s9  }
0x9: {  	s30 =	sadd.s32 s13, s12;
	s31 =	sadd.s32 s29, s28;
	s12 =	simm.s32 $0x3200  }
0xa: {  	s13 =	simm.s32 $0x5200;
	s5 =	sshrl.u32 s8, $0x3;
	s21 =	sadd.s32 $0x3100, s8  }
0xb: {  	s6 =	smax.u32 s6, $0x1;
	s8 =	sadd.s32 $0x3180, s8;
	[dreg:$0x2] =	wrdreg s30  }
0xc: {  	s5 =	sadd.s32 s5, s4;
	s10 =	sshll.u32 s21, $0x6;
	s9 =	sand.u32 $0x3F00, s21  }
0xd: {  	s23 =	sshll.u32 s8, $0x6;
	s8 =	sand.u32 $0x3F80, s8;
	s10 =	sand.u32 $0x3F00000, s10  }
0xe: {  	s11 =	sshll.u32 s9, $0x7;
	s9 =	sshrl.u32 s9, $0xD;
	s24 =	sand.u32 $0x3F00000, s23  }
0xf: {  	s25 =	sshll.u32 s8, $0x7;
	s10 =	sadd.s32 s11, s10;
	s22 =	sshll.u32 s9, $0x14  }
0x10: {  	s8 =	sshrl.u32 s8, $0xD;
	s9 =	sshll.u32 s9, $0x6;
	s10 =	ssub.s32 s10, s22  }
0x11: {  	s26 =	sshll.u32 s8, $0x14;
	s9 =	sor.u32 s9, s10;
	s10 =	sadd.s32 s25, s24  }
0x12: {  	s4 =	sadd.s32 $0xD800, s4;
	s8 =	sshll.u32 s8, $0x6;
	s10 =	ssub.s32 s10, s26  }
0x13: {  	s5 =	sadd.s32 $0x1000, s5;
	s9 =	sshrl.u32 s9, $0x3;
	s8 =	sor.u32 s8, s10  }
0x14: {  	s11 =	simm.s32 $0x80;
	s7 =	sadd.s32 s4, s9;
	s8 =	sshrl.u32 s8, $0x3  }
0x15: {  	s9 =	sor.u32 $0x80, s31;
	s10 =	simm.s32 $0x3;
	s8 =	sadd.s32 s4, s8  }
.LBB2_1:
0x16: {  	[tilespmem:s2], [sflag:$0x3] =	stream.linear.gather [hbm4b:s5+s2], $0x3200, $0x38;
	[tilespmem:$0x7200] =	vst v63  }
0x17: {  	_ =	swait.ge [sflag:s10], $0x3200  }
0x18: {  	[sflag:s10] =	ssyncset.done $0x0  }
0x19: {  	[sflag:s10] =	ssyncadd.s32 $0xFFFFCE00  }
0x1a: {  	[tilespmem:s12], [sflag:$0x1] =	stream.indirect.gather [hbm4b:s3+s11], $0x40, s2, s11, $0xb8;
	[tilespmem:$0x7200] =	vst v63  }
0x1b: {  	_ = 	snop  }
0x1c: {  	[tilespmem:s13], [sflag:$0x2] =	stream.indirect.gather [hbm4b:s3+s11], $0x40, s11, s11, $0xb8;
	[tilespmem:$0x7200] =	vst v63  }
0x1d: {  	_ =	swait.ge [sflag:s14], $0x2000  }
0x1e: {  	s19 =	sadd.s32 $0xFFFFFF80, s9;
	s18 =	rddreg [dreg:$0x2]  }
0x1f: {  	s19 =	sand.u32 $0x3F00, s19;
	s18 =	sadd.s32 $0x0, s18  }
0x20: {  	s20 =	sshll.u32 s19, $0x7;
	s19 =	sshrl.u32 s19, $0xD;
	s21 =	sand.u32 $0x7FF00000, s18  }
0x21: {  	s25 =	sshll.u32 s19, $0x14;
	s20 =	sadd.s32 s20, s21  }
0x22: {  	s19 =	sshll.u32 s19, $0x6;
	s20 =	ssub.s32 s20, s25  }
0x23: {  	s26 =	sand.u32 $0x3F80, s9;
	s31 =	simm.s32 $0x100;
	s19 =	sor.u32 s19, s20  }
0x24: {  	s28 =	sshll.u32 s26, $0x7;
	[sflag:s14] =	ssyncset.done $0x0;
	s19 =	sshrl.u32 s19, $0x3  }
0x25: {  	[sflag:s14] =	ssyncadd.s32 $0xFFFFE000;
	s18 =	sadd.s32 $0x2000, s18;
	s19 =	sadd.s32 s4, s19  }
0x26: {  	[hbm4b:s19+s15] =	stream.strided.scatter [tilespmem:s12], [sflag:$0x3], $0x2000, s11, s15, $0x38;
	[tilespmem:$0x7200] =	vst v63  }
0x27: {  	s18 =	sand.u32 $0x7FF00000, s18;
	s21 =	sshrl.u32 s26, $0xD;
	_ =	swait.ge [sflag:s10], $0x2000  }
0x28: {  	s18 =	sadd.s32 s28, s18;
	s29 =	sshll.u32 s21, $0x14;
	[sflag:s10] =	ssyncset.done $0x0  }
0x29: {  	s30 =	sshll.u32 s21, $0x6;
	s18 =	ssub.s32 s18, s29;
	[sflag:s10] =	ssyncadd.s32 $0xFFFFE000  }
0x2a: {  	[tilespmem:s12], [sflag:$0x1] =	stream.indirect.gather [hbm4b:s3+s11], $0x40, s31, s11, $0xb8;
	[tilespmem:$0x7200] =	vst v63  }
0x2b: {  	s18 =	sor.u32 s30, s18;
	_ =	swait.ge [sflag:s16], $0x2000  }
0x2c: {  	s18 =	sshrl.u32 s18, $0x3;
	[sflag:s16] =	ssyncset.done $0x0  }
0x2d: {  	s18 =	sadd.s32 s4, s18;
	[sflag:s16] =	ssyncadd.s32 $0xFFFFE000  }
0x2e: {  	[hbm4b:s18+s15] =	stream.strided.scatter [tilespmem:s13], [sflag:$0x3], $0x2000, s11, s15, $0x38;
	[tilespmem:$0x7200] =	vst v63  }
0x2f: {  	s21 =	simm.s32 $0x180;
	s20 =	smov.u32 s9;
	_ =	swait.ge [sflag:s10], $0x2000  }
0x30: {  	s19 =	simm.s32 $0x4000;
	s18 =	simm.s32 $0x180;
	[sflag:s10] =	ssyncset.done $0x0  }
.LBB2_2:
0x31: {  	[sflag:s10] =	ssyncadd.s32 $0xFFFFE000  }
0x32: {  	[tilespmem:s13], [sflag:$0x2] =	stream.indirect.gather [hbm4b:s3+s11], $0x40, s21, s11, $0xb8;
	[tilespmem:$0x7200] =	vst v63  }
0x33: {  	s20 =	sadd.s32 $0x100, s20;
	_ =	swait.ge [sflag:s14], $0x2000  }
0x34: {  	s22 =	smov.u32 s19;
	s24 =	sadd.s32 $0xFFFFFF80, s20;
	s23 =	rddreg [dreg:$0x2]  }
0x35: {  	s24 =	sand.u32 $0x3F00, s24;
	s22 =	sadd.s32 s22, s23  }
0x36: {  	s30 =	sshll.u32 s24, $0x7;
	s24 =	sshrl.u32 s24, $0xD;
	s28 =	sand.u32 $0x7FF00000, s22  }
0x37: {  	s31 =	sshll.u32 s24, $0x14;
	s23 =	sadd.s32 s30, s28  }
0x38: {  	s25 =	sand.u32 $0x3F80, s20;
	s24 =	sshll.u32 s24, $0x6;
	s23 =	ssub.s32 s23, s31  }
0x39: {  	s18 =	sadd.s32 $0x100, s18;
	s26 =	sshll.u32 s25, $0x7;
	s23 =	sor.u32 s24, s23  }
0x3a: {  	s25 =	sshrl.u32 s25, $0xD;
	[sflag:s14] =	ssyncset.done $0x0;
	s23 =	sshrl.u32 s23, $0x3  }
0x3b: {  	[sflag:s14] =	ssyncadd.s32 $0xFFFFE000;
	s22 =	sadd.s32 $0x2000, s22;
	s23 =	sadd.s32 s4, s23  }
0x3c: {  	[hbm4b:s23+s15] =	stream.strided.scatter [tilespmem:s12], [sflag:$0x3], $0x2000, s11, s15, $0x38;
	[tilespmem:$0x7200] =	vst v63  }
0x3d: {  	s29 =	sshll.u32 s25, $0x14;
	s22 =	sand.u32 $0x7FF00000, s22;
	_ =	swait.ge [sflag:s10], $0x2000  }
0x3e: {  	s30 =	sshll.u32 s25, $0x6;
	s22 =	sadd.s32 s26, s22;
	[sflag:s10] =	ssyncset.done $0x0  }
0x3f: {  	s31 =	sadd.s32 $0xFFFFFF80, s18;
	s22 =	ssub.s32 s22, s29;
	[sflag:s10] =	ssyncadd.s32 $0xFFFFE000  }
0x40: {  	[tilespmem:s12], [sflag:$0x1] =	stream.indirect.gather [hbm4b:s3+s11], $0x40, s31, s11, $0xb8;
	[tilespmem:$0x7200] =	vst v63  }
0x41: {  	p0 =	sne.s32 s19, $0xC0000;
	s22 =	sor.u32 s30, s22;
	_ =	swait.ge [sflag:s16], $0x2000  }
.Ltmp0:
0x42: {  	s22 =	sshrl.u32 s22, $0x3;
	[sflag:s16] =	ssyncset.done $0x0;
	(pc) =	sbr.rel @p0 .LBB2_2-.Ltmp0, $4  }
0x43: {  	s22 =	sadd.s32 s4, s22;
	[sflag:s16] =	ssyncadd.s32 $0xFFFFE000  }
0x44: {  	[hbm4b:s22+s15] =	stream.strided.scatter [tilespmem:s13], [sflag:$0x3], $0x2000, s11, s15, $0x38;
	[tilespmem:$0x7200] =	vst v63  }
0x45: {  	_ =	swait.ge [sflag:s10], $0x2000  }
0x46: {  	s19 =	sadd.s32 $0x4000, s19;
	s21 =	smov.u32 s18;
	[sflag:s10] =	ssyncset.done $0x0  }
0x47: {  	[sflag:s10] =	ssyncadd.s32 $0xFFFFE000  }
0x48: {  	[tilespmem:s13], [sflag:$0x2] =	stream.indirect.gather [hbm4b:s3+s11], $0x40, s21, s11, $0xb8;
	[tilespmem:$0x7200] =	vst v63  }
0x49: {  	_ =	swait.ge [sflag:s14], $0x2000  }
0x4a: {  	[sflag:s14] =	ssyncset.done $0x0  }
0x4b: {  	[sflag:s14] =	ssyncadd.s32 $0xFFFFE000  }
0x4c: {  	[hbm4b:s7+s15] =	stream.strided.scatter [tilespmem:s12], [sflag:$0x3], $0x2000, s11, s15, $0x38;
	[tilespmem:$0x7200] =	vst v63  }
0x4d: {  	_ =	swait.ge [sflag:s10], $0x2000  }
0x4e: {  	[sflag:s10] =	ssyncset.done $0x0  }
0x4f: {  	[sflag:s10] =	ssyncadd.s32 $0xFFFFE000  }
0x50: {  	s17 =	sadd.s32 $0x1, s17;
	_ =	swait.ge [sflag:s16], $0x2000  }
0x51: {  	p0 =	sne.s32 s17, s6;
	[sflag:s16] =	ssyncset.done $0x0  }
.Ltmp1:
0x52: {  	[sflag:s16] =	ssyncadd.s32 $0xFFFFE000;
	(pc) =	sbr.rel @p0 .LBB2_1-.Ltmp1, $4  }
0x53: {  	[hbm4b:s8+s15] =	stream.strided.scatter [tilespmem:s13], [sflag:$0x3], $0x2000, s11, s15, $0x38;
	[tilespmem:$0x7200] =	vst v63  }
0x54: {  	_ =	swait.ge [sflag:s10], $0x2000  }
0x55: {  	[sflag:s10] =	ssyncset.done $0x0  }
0x56: {  	[sflag:s10] =	ssyncadd.s32 $0xFFFFE000  }
0x57: {  	_ =	sfence.sel $0x180000  }
0x58: {  	[bflag:$0x0] =	sbarrier.arrive $0xFFFF  }
0x59: {  	p0 =	sne.s32 s0, $0x0;
	_ =	strace $0x90000047  }
0x5a: {  	s0 =	sadd.s32 @!p0 $0x100000, s1;
	[bflag:$0x2] =	sbarrier.arrive $0xFFFF  }
0x5b: {  	[sflag:s0] =	ssyncadd.tile.s32 @!p0 $0x1;
	_ =	shalt  }
.Lfunc_end2:
_tile_overlayer_lowered:
.L_overlay_start_2:
0x5c: {  	(tag) =	ssettag $0x2  }
0x5d: {  	s0 =	rddreg [dreg:$0x0];
	s2 =	stileid.u32  }
0x5e: {  	s1 =	rddreg [dreg:$0x1];
	p0 =	sne.s32 s2, $0x0  }
0x5f: {  	s3 =	rddreg [dreg:$0x2];
	[bflag:$0x3] =	sbarrier.arrive $0xFFFF;
	s2 =	simm.s32 @!p0 $0x1C03  }
0x60: {  	[timem:s3], [sflag:s2] =	dma.local @!p0 [hbm:s0], s1  }
0x61: {  	s0 =	simm.s32 @!p0 $0x3  }
0x62: {  	_ =	swait.ge @!p0 [sflag:s0], s1  }
0x63: {  	s1 =	ssub.s32 @!p0 $0x0, s1;
	[sflag:s0] =	ssyncset.done @!p0 $0x0  }
0x64: {  	[sflag:s0] =	ssyncadd.s32 @!p0 s1  }
0x65: {  	[bflag:$0x3] =	sbarrier.arrive $0xFFFF  }
0x66: {  	_ =	shalt  }

// kernel: kernel.9.cloned.1.call-start
scs
__scs_entry_jumppad:
0x0: {  	(pc) =	sbr.rel $0x88, $3  }
0x1: {  	(tag) =	ssettag $0x0;
	lr =	simm.s32 $0x1  }
0x2: {  	[smem:$0x3F9E] =	sst lr;
	_ =	strace $0xD0000000  }
0x3: {  	_ = 	snop  }
0x4: {  	_ = 	snop  }
0x5: {  	_ = 	snop  }
0x6: {  	_ = 	snop  }
0x7: {  	_ = 	snop  }
__scs_overlays_trampoline_lowered:
0x8: {  	[smem:$0x3FAD] =	sst s0  }
0x9: {  	[smem:$0x3FAE] =	sst s1  }
0xa: {  	[smem:$0x3FAF] =	sst s2  }
0xb: {  	[smem:$0x3FB0] =	sst s3  }
0xc: {  	[smem:$0x3FB1] =	sst s4  }
0xd: {  	[smem:$0x3FB2] =	sst s5  }
0xe: {  	[smem:$0x3FB3] =	sst s6  }
0xf: {  	[smem:$0x3FB4] =	sst s7  }
0x10: {  	[smem:$0x3FB5] =	sst s8  }
0x11: {  	[smem:$0x3FB6] =	sst s9;
	s0 =	simm.s32 @!p0 $0x0  }
0x12: {  	s1 =	sld [smem:$0x3F9C];
	s0 =	simm.s32 @p0 $0x1  }
0x13: {  	[smem:$0x3FB7] =	sst s0;
	s0 =	simm.s32 @!p1 $0x0  }
0x14: {  	s2 =	sld [smem:$0x3F9B];
	s0 =	simm.s32 @p1 $0x1  }
0x15: {  	[smem:$0x3FB8] =	sst s0;
	s0 =	simm.s32 @!p2 $0x0  }
0x16: {  	s3 =	sld [smem:$0x3FDB];
	s0 =	simm.s32 @p2 $0x1  }
0x17: {  	s4 =	simm.s32 $0x1BF5;
	[smem:$0x3FBA] =	sst s0  }
0x18: {  	s0 =	sld [smem:$0x3F9D];
	_ =	swait.ge [sflag:s4], $0x0  }
0x19: {  	s7 =	sld [smem:$0x3F9E]  }
0x1a: {  	s8 =	sadd.s32 $0xFFFFE003, lr  }
0x1b: {  	s9 =	sadd.s32 $0xFFFFFEF7, lr;
	s5 =	simm.s32 $0xFFFFFFFF;
	p2 =	slt.u32 s8, $0xFFFFF086  }
0x1c: {  	p1 =	slt.u32 s9, $0xF7A;
	s5 =	simm.s32 @!p2 $0x0  }
0x1d: {  	s5 =	simm.s32 @p1 $0x1;
	p0 =	seq.s32 s7, s2  }
0x1e: {  	s7 =	smul.u32 @!p0 $0xF7A, s2;
	p2 =	seq.s32 @!p0 s5, $0x0  }
0x1f: {  	s9 =	smul.u32 $0xF7A, s1;
	s8 =	simm.s32 @!p0 $0x1BF5;
	p2 =	por !p2, p0  }
0x20: {  	[sflag:s8] =	ssyncset.s32 @!p0 $0xFFFFF086;
	s6 =	sadd.s32 @!p0 s3, s7;
	s7 =	simm.s32 @!p0 $0x108  }
0x21: {  	s3 =	sadd.s32 s3, s9;
	s6 =	sadd.s32 @!p0 $0x88, s6;
	s7 =	simm.s32 @p2 $0x1082  }
0x22: {  	[simem:s7], [sflag:s8] =	dma.local @!p0 [hbm:s6], $0xF7A  }
0x23: {  	s9 =	sor.u32 $0xD0000000, s2;
	s6 =	simm.s32 $0x108;
	_ =	swait.ge @!p0 [sflag:s8], $0x0  }
0x24: {  	s3 =	sadd.s32 $0x88, s3;
	s6 =	simm.s32 @!p1 $0x1082;
	[sflag:s4] =	ssyncset.s32 $0xFFFFF086  }
0x25: {  	[simem:s6], [sflag:s4] =	dma.local [hbm:s3], $0xF7A  }
0x26: {  	[smem:$0x3F9E] =	sst s1;
	(tag) =	ssettag s2;
	_ =	strace s9  }
0x27: {  	s1 =	sld [smem:$0x3FAE]  }
0x28: {  	s2 =	sld [smem:$0x3FAF]  }
0x29: {  	s4 =	sld [smem:$0x3FB1]  }
0x2a: {  	p0 =	seq.s32 s5, $0x0;
	s5 =	sld [smem:$0x3FB2]  }
0x2b: {  	s6 =	sld [smem:$0x3FB3]  }
0x2c: {  	s7 =	sld [smem:$0x3FB4]  }
0x2d: {  	s3 =	simm.s32 $0x108;
	s8 =	sld [smem:$0x3FB5]  }
0x2e: {  	s3 =	simm.s32 @!p0 $0x1082;
	s9 =	sld [smem:$0x3FB6]  }
0x2f: {  	lr =	sadd.s32 s0, s3;
	s0 =	sld [smem:$0x3FAD]  }
0x30: {  	s3 =	sld [smem:$0x3FB0]  }
0x31: {  	[smem:$0x3FB9] =	sst s10  }
0x32: {  	s10 =	sld [smem:$0x3FB7];
	_ =	sdelay $0x3  }
0x33: {  	p0 =	seq.s32 s10, $0x1;
	s10 =	sld [smem:$0x3FB9];
	_ =	sdelay $0x3  }
0x34: {  	[smem:$0x3FB9] =	sst s10  }
0x35: {  	s10 =	sld [smem:$0x3FB8];
	_ =	sdelay $0x3  }
0x36: {  	p1 =	seq.s32 s10, $0x1;
	s10 =	sld [smem:$0x3FB9];
	_ =	sdelay $0x3  }
0x37: {  	[smem:$0x3FB9] =	sst s10  }
0x38: {  	s10 =	sld [smem:$0x3FBA]  }
0x39: {  	_ = 	snop;
	(pc) =	sbr.ind lr, $3  }
0x3a: {  	_ = 	snop  }
0x3b: {  	_ = 	snop  }
0x3c: {  	p2 =	seq.s32 s10, $0x1;
	s10 =	sld [smem:$0x3FB9]  }
0x3d: {  	_ =	shalt  }
0x3e: {  	_ =	shalt  }
0x3f: {  	_ =	shalt  }
0x40: {  	_ =	shalt  }
0x41: {  	_ =	shalt  }
0x42: {  	_ =	shalt  }
0x43: {  	_ =	shalt  }
0x44: {  	_ =	shalt  }
0x45: {  	_ =	shalt  }
0x46: {  	_ =	shalt  }
0x47: {  	_ =	shalt  }
0x48: {  	_ =	shalt  }
0x49: {  	_ =	shalt  }
0x4a: {  	_ =	shalt  }
0x4b: {  	_ =	shalt  }
0x4c: {  	_ =	shalt  }
0x4d: {  	_ =	shalt  }
0x4e: {  	_ =	shalt  }
0x4f: {  	_ =	shalt  }
0x50: {  	_ =	shalt  }
0x51: {  	_ =	shalt  }
0x52: {  	_ =	shalt  }
0x53: {  	_ =	shalt  }
0x54: {  	_ =	shalt  }
0x55: {  	_ =	shalt  }
0x56: {  	_ =	shalt  }
0x57: {  	_ =	shalt  }
0x58: {  	_ =	shalt  }
0x59: {  	_ =	shalt  }
0x5a: {  	_ =	shalt  }
0x5b: {  	_ =	shalt  }
0x5c: {  	_ =	shalt  }
0x5d: {  	_ =	shalt  }
0x5e: {  	_ =	shalt  }
0x5f: {  	_ =	shalt  }
0x60: {  	_ =	shalt  }
0x61: {  	_ =	shalt  }
0x62: {  	_ =	shalt  }
0x63: {  	_ =	shalt  }
0x64: {  	_ =	shalt  }
0x65: {  	_ =	shalt  }
0x66: {  	_ =	shalt  }
0x67: {  	_ =	shalt  }
0x68: {  	_ =	shalt  }
0x69: {  	_ =	shalt  }
0x6a: {  	_ =	shalt  }
0x6b: {  	_ =	shalt  }
0x6c: {  	_ =	shalt  }
0x6d: {  	_ =	shalt  }
0x6e: {  	_ =	shalt  }
0x6f: {  	_ =	shalt  }
0x70: {  	_ =	shalt  }
0x71: {  	_ =	shalt  }
0x72: {  	_ =	shalt  }
0x73: {  	_ =	shalt  }
0x74: {  	_ =	shalt  }
0x75: {  	_ =	shalt  }
0x76: {  	_ =	shalt  }
0x77: {  	_ =	shalt  }
0x78: {  	_ =	shalt  }
0x79: {  	_ =	shalt  }
0x7a: {  	_ =	shalt  }
0x7b: {  	_ =	shalt  }
0x7c: {  	_ =	shalt  }
0x7d: {  	_ =	shalt  }
0x7e: {  	_ =	shalt  }
0x7f: {  	_ =	shalt  }
0x80: {  	_ =	shalt  }
0x81: {  	_ =	shalt  }
0x82: {  	_ =	shalt  }
0x83: {  	_ =	shalt  }
0x84: {  	_ =	shalt  }
0x85: {  	_ =	shalt  }
0x86: {  	_ =	shalt  }
0x87: {  	_ =	shalt  }
.Lfunc_end0:
.L_simem_size_0:
called_computation.1_lowered:
.L_overlay_start_0:
0x88: {  	s2 =	sld [smem:$0x3FD9]  }
0x89: {  	s3 =	sld [smem:$0x3FFE];
	_ =	sdelay $0x1  }
0x8a: {  	s1 =	srdreg.scid  }
0x8b: {  	s0 =	sand.u32 $0x1, s1  }
0x8c: {  	s17 =	sshll.u32 s0, $0xA;
	s2 =	sadd.s32 s3, s2  }
0x8d: {  	s2 =	sadd.s32 s2, s17  }
0x8e: {  	[smem:$0x3FC5] =	sst s2  }
0x8f: {  	_ = 	snop  }
0x90: {  	(tm) =	ssettm $0x1  }
0x91: {  	s18 =	sld [smem:$0x3FFB];
	_ =	sdelay $0x3  }
0x92: {  	_ =	strace s18  }
0x93: {  	s2 =	sld [smem:$0x3FFC];
	_ =	sdelay $0x3  }
0x94: {  	_ =	strace s2  }
0x95: {  	s2 =	sld [smem:$0x3FFD];
	_ =	sdelay $0x3  }
0x96: {  	_ =	strace s2  }
0x97: {  	_ =	strace $0x8FFFFFFF  }
0x98: {  	s19 =	sld [smem:$0x3FDB];
	_ =	sdelay $0x1  }
0x99: {  	s20 =	simm.s32 $_scs_section_size  }
0x9a: {  	s4 =	simm.s32 $_size__tile_overlayer_lowered;
	s5 =	simm.s32 $_tile_overlayer_lowered  }
0x9b: {  	s6 =	simm.s32 $0x1BFF;
	s21 =	sshll.u32 s5, $0x1;
	s3 =	sadd.s32 s20, s19  }
0x9c: {  	s22 =	simm.s32 $0x0;
	s4 =	sshll.u32 s4, $0x1;
	s5 =	sadd.s32 s21, s3  }
0x9d: {  	[timem:s22], [sflag:s6] =	dma.local [hbm:s5], s4  }
0x9e: {  	_ =	swait.ge [sflag:s6], s4  }
0x9f: {  	s4 =	ssub.s32 $0x0, s4;
	[sflag:s6] =	ssyncset.done $0x0  }
0xa0: {  	[sflag:s6] =	ssyncadd.s32 s4;
	_ =	sdelay $0x1  }
0xa1: {  	s23 =	simm.s32 $0x1B8B  }
0xa2: {  	_ =	swait.ge [sflag:s23], $0x1  }
0xa3: {  	[sflag:s23] =	ssyncset.done $0x0  }
0xa4: {  	[sflag:s23] =	ssyncadd.s32 $0xFFFFFFFF  }
0xa5: {  	s4 =	sld [smem:$0x0]  }
0xa6: {  	s5 =	sand.u32 $0xFFFFFFFE, s1  }
0xa7: {  	p0 =	sne.s32 s1, s5  }
0xa8: {  	s5 =	sshll.u32 @p0 s5, $0xE  }
0xa9: {  	s5 =	sadd.s32 @p0 $0x11B8D, s5;
	s6 =	sshll.u32 @p0 s4, $0x11  }
0xaa: {  	s5 =	sor.u32 @p0 s6, s5  }
0xab: {  	[sflag:s5] =	ssyncadd.remote.s32 @p0 $0x1;
	_ =	sdelay $0x1  }
0xac: {  	s5 =	simm.s32 @p0 $0x1B8D  }
0xad: {  	_ =	swait.eq @p0 [sflag:s5], $0x1  }
0xae: {  	[sflag:s5] =	ssyncadd.s32 @p0 $0xFFFFFFFF  }
0xaf: {  	s6 =	sshll.u32 @!p0 s1, $0xE  }
0xb0: {  	s6 =	sor.u32 @!p0 $0x4000, s6;
	s5 =	simm.s32 @!p0 $0x1B8D  }
0xb1: {  	s4 =	sshll.u32 @!p0 s4, $0x11;
	s6 =	sadd.s32 @!p0 $0x11B8D, s6;
	_ =	swait.eq @!p0 [sflag:s5], $0x1  }
0xb2: {  	s4 =	sor.u32 @!p0 s4, s6;
	[sflag:s5] =	ssyncadd.s32 @!p0 $0xFFFFFFFF  }
0xb3: {  	s25 =	simm.s32 $0x1B8E;
	s24 =	sld [smem:$0x3FFE];
	[sflag:s4] =	ssyncadd.remote.s32 @!p0 $0x1  }
0xb4: {  	s26 =	simm.s32 $execute0_lowered;
	[smem:$0x3FD2] =	sst s25  }
0xb5: {  	s5 =	sshll.u32 s26, $0x1;
	_ =	strace $0x80000049;
	[dreg:$0x1] =	wrdreg $0xFFFFFFFF  }
0xb6: {  	s28 =	simm.s32 $_size_execute0_lowered;
	s3 =	sadd.s32 s3, s5;
	[dreg:$0x0] =	wrdreg $0x0  }
0xb7: {  	s5 =	sshll.u32 s28, $0x1;
	[dreg:$0x2] =	wrdreg s3  }
0xb8: {  	[dreg:$0x3] =	wrdreg s5  }
0xb9: {  	[dreg:$0x4] =	wrdreg $0xC0  }
0xba: {  	_ =	task [dreg:s22], $0x5FFFF  }
0xbb: {  	[dreg:$0x1] =	wrdreg $0xFFFFFFFF  }
0xbc: {  	[dreg:$0x0] =	wrdreg $0x60  }
0xbd: {  	[dreg:$0x2] =	wrdreg s24  }
0xbe: {  	[dreg:$0x3] =	wrdreg $0xA  }
0xbf: {  	_ =	task.clear_ibuf [dreg:s22], $0x4FFFF;
	_ =	strace $0x90000049  }
0xc0: {  	s29 =	simm.s32 $0xA;
	_ =	strace $0x8000004B  }
0xc1: {  	_ =	swait.ge [sflag:s29], $0x1  }
0xc2: {  	[sflag:s29] =	ssyncadd.s32 $0xFFFFFFFF  }
0xc3: {  	_ =	strace $0x9000004B  }
0xc4: {  	_ =	sfence  }
0xc5: {  	s30 =	sld [smem:$0x0];
	_ =	sdelay $0x2  }
0xc6: {  	s31 =	sshll.u32 s1, $0xD;
	s1 =	sshrl.u32 s1, $0x2  }
0xc7: {  	s4 =	sand.u32 $0x4000, s31;
	s1 =	sadd.s32 s1, s30  }
0xc8: {  	s0 =	sor.u32 s4, s0;
	s1 =	sshll.u32 s1, $0x11  }
0xc9: {  	s0 =	sor.u32 s1, s0  }
0xca: {  	s0 =	sadd.s32 $0x8F2B, s0  }
0xcb: {  	[sflag:s0] =	ssyncadd.remote.s32 $0x1  }
0xcc: {  	_ =	sfence.sel $0xFFFF  }
0xcd: {  	[dreg:$0x0] =	wrdreg $0xFFFFFFFF;
	(pc) =	sbr.abs _section_cstart, $3  }
0xce: {  	[dreg:$0x1] =	wrdreg $0xFFFFFFFF  }
0xcf: {  	_ =	task.clear_ibuf [dreg:s22], $0x2FFFF;
	_ =	strace $0x9FFFFFFF  }
0xd0: {  	(tm) =	ssettm $0x7FFFFFFF  }
0xd1: {  	_ =	shalt  }
tec
execute0_lowered:
.L_overlay_start_1:
0x0: {  	(tag) =	ssettag $0x1  }
0x1: {  	s1 =	srdreg.scid;
	s0 =	stileid.u32  }
0x2: {  	s4 =	rddreg [dreg:$0x0];
	s2 =	simm.s32 $0x0;
	s14 =	simm.s32 $0x1  }
0x3: {  	s15 =	simm.s32 $0x40;
	s16 =	simm.s32 $0x2;
	s17 =	simm.s32 $0x0  }
0x4: {  	s7 =	sand.u32 $0x1, s1;
	s1 =	rddreg [dreg:$0x1];
	s12 =	smul.u32 $0x190000, s0  }
0x5: {  	s3 =	sshll.u32 s0, $0x1;
	[smem:$0x7FF] =	sst s2;
	s28 =	smul.u32 $0x6400, s0  }
0x6: {  	s3 =	sor.u32 s7, s3;
	s6 =	ssub.s32 $0x2, s7;
	s13 =	smul.u32 $0xC8000, s7  }
0x7: {  	_ =	strace $0x8000004A;
	s29 =	smul.u32 $0x3200, s7;
	s9 =	sshrl.u32 s6, $0x1  }
0x8: {  	s8 =	smul.u32 $0x3200, s3;
	s3 =	sadd.s32 $0xF43400, s4;
	s6 =	ssub.s32 s6, s9  }
0x9: {  	s30 =	sadd.s32 s13, s12;
	s31 =	sadd.s32 s29, s28;
	s12 =	simm.s32 $0x3200  }
0xa: {  	s13 =	simm.s32 $0x5200;
	s5 =	sshrl.u32 s8, $0x3;
	s21 =	sadd.s32 $0x3100, s8  }
0xb: {  	s6 =	smax.u32 s6, $0x1;
	s8 =	sadd.s32 $0x3180, s8;
	[dreg:$0x2] =	wrdreg s30  }
0xc: {  	s5 =	sadd.s32 s5, s4;
	s10 =	sshll.u32 s21, $0x6;
	s9 =	sand.u32 $0x3F00, s21  }
0xd: {  	s23 =	sshll.u32 s8, $0x6;
	s8 =	sand.u32 $0x3F80, s8;
	s10 =	sand.u32 $0x3F00000, s10  }
0xe: {  	s11 =	sshll.u32 s9, $0x7;
	s9 =	sshrl.u32 s9, $0xD;
	s24 =	sand.u32 $0x3F00000, s23  }
0xf: {  	s25 =	sshll.u32 s8, $0x7;
	s10 =	sadd.s32 s11, s10;
	s22 =	sshll.u32 s9, $0x14  }
0x10: {  	s8 =	sshrl.u32 s8, $0xD;
	s9 =	sshll.u32 s9, $0x6;
	s10 =	ssub.s32 s10, s22  }
0x11: {  	s26 =	sshll.u32 s8, $0x14;
	s9 =	sor.u32 s9, s10;
	s10 =	sadd.s32 s25, s24  }
0x12: {  	s4 =	sadd.s32 $0x33A000, s4;
	s8 =	sshll.u32 s8, $0x6;
	s10 =	ssub.s32 s10, s26  }
0x13: {  	s5 =	sadd.s32 $0x32D800, s5;
	s9 =	sshrl.u32 s9, $0x3;
	s8 =	sor.u32 s8, s10  }
0x14: {  	s11 =	simm.s32 $0x80;
	s7 =	sadd.s32 s4, s9;
	s8 =	sshrl.u32 s8, $0x3  }
0x15: {  	s9 =	sor.u32 $0x80, s31;
	s10 =	simm.s32 $0x3;
	s8 =	sadd.s32 s4, s8  }
.LBB2_1:
0x16: {  	[tilespmem:s2], [sflag:$0x3] =	stream.linear.gather [hbm4b:s5+s2], $0x3200, $0x38;
	[tilespmem:$0x7200] =	vst v63  }
0x17: {  	_ =	swait.ge [sflag:s10], $0x3200  }
0x18: {  	[sflag:s10] =	ssyncset.done $0x0  }
0x19: {  	[sflag:s10] =	ssyncadd.s32 $0xFFFFCE00  }
0x1a: {  	[tilespmem:s12], [sflag:$0x1] =	stream.indirect.gather [hbm4b:s3+s11], $0x40, s2, s11, $0xb8;
	[tilespmem:$0x7200] =	vst v63  }
0x1b: {  	_ = 	snop  }
0x1c: {  	[tilespmem:s13], [sflag:$0x2] =	stream.indirect.gather [hbm4b:s3+s11], $0x40, s11, s11, $0xb8;
	[tilespmem:$0x7200] =	vst v63  }
0x1d: {  	_ =	swait.ge [sflag:s14], $0x2000  }
0x1e: {  	s19 =	sadd.s32 $0xFFFFFF80, s9;
	s18 =	rddreg [dreg:$0x2]  }
0x1f: {  	s19 =	sand.u32 $0x3F00, s19;
	s18 =	sadd.s32 $0x0, s18  }
0x20: {  	s20 =	sshll.u32 s19, $0x7;
	s19 =	sshrl.u32 s19, $0xD;
	s21 =	sand.u32 $0x7FF00000, s18  }
0x21: {  	s25 =	sshll.u32 s19, $0x14;
	s20 =	sadd.s32 s20, s21  }
0x22: {  	s19 =	sshll.u32 s19, $0x6;
	s20 =	ssub.s32 s20, s25  }
0x23: {  	s26 =	sand.u32 $0x3F80, s9;
	s31 =	simm.s32 $0x100;
	s19 =	sor.u32 s19, s20  }
0x24: {  	s28 =	sshll.u32 s26, $0x7;
	[sflag:s14] =	ssyncset.done $0x0;
	s19 =	sshrl.u32 s19, $0x3  }
0x25: {  	[sflag:s14] =	ssyncadd.s32 $0xFFFFE000;
	s18 =	sadd.s32 $0x2000, s18;
	s19 =	sadd.s32 s4, s19  }
0x26: {  	[hbm4b:s19+s15] =	stream.strided.scatter [tilespmem:s12], [sflag:$0x3], $0x2000, s11, s15, $0x38;
	[tilespmem:$0x7200] =	vst v63  }
0x27: {  	s18 =	sand.u32 $0x7FF00000, s18;
	s21 =	sshrl.u32 s26, $0xD;
	_ =	swait.ge [sflag:s10], $0x2000  }
0x28: {  	s18 =	sadd.s32 s28, s18;
	s29 =	sshll.u32 s21, $0x14;
	[sflag:s10] =	ssyncset.done $0x0  }
0x29: {  	s30 =	sshll.u32 s21, $0x6;
	s18 =	ssub.s32 s18, s29;
	[sflag:s10] =	ssyncadd.s32 $0xFFFFE000  }
0x2a: {  	[tilespmem:s12], [sflag:$0x1] =	stream.indirect.gather [hbm4b:s3+s11], $0x40, s31, s11, $0xb8;
	[tilespmem:$0x7200] =	vst v63  }
0x2b: {  	s18 =	sor.u32 s30, s18;
	_ =	swait.ge [sflag:s16], $0x2000  }
0x2c: {  	s18 =	sshrl.u32 s18, $0x3;
	[sflag:s16] =	ssyncset.done $0x0  }
0x2d: {  	s18 =	sadd.s32 s4, s18;
	[sflag:s16] =	ssyncadd.s32 $0xFFFFE000  }
0x2e: {  	[hbm4b:s18+s15] =	stream.strided.scatter [tilespmem:s13], [sflag:$0x3], $0x2000, s11, s15, $0x38;
	[tilespmem:$0x7200] =	vst v63  }
0x2f: {  	s21 =	simm.s32 $0x180;
	s20 =	smov.u32 s9;
	_ =	swait.ge [sflag:s10], $0x2000  }
0x30: {  	s19 =	simm.s32 $0x4000;
	s18 =	simm.s32 $0x180;
	[sflag:s10] =	ssyncset.done $0x0  }
.LBB2_2:
0x31: {  	[sflag:s10] =	ssyncadd.s32 $0xFFFFE000  }
0x32: {  	[tilespmem:s13], [sflag:$0x2] =	stream.indirect.gather [hbm4b:s3+s11], $0x40, s21, s11, $0xb8;
	[tilespmem:$0x7200] =	vst v63  }
0x33: {  	s20 =	sadd.s32 $0x100, s20;
	_ =	swait.ge [sflag:s14], $0x2000  }
0x34: {  	s22 =	smov.u32 s19;
	s24 =	sadd.s32 $0xFFFFFF80, s20;
	s23 =	rddreg [dreg:$0x2]  }
0x35: {  	s24 =	sand.u32 $0x3F00, s24;
	s22 =	sadd.s32 s22, s23  }
0x36: {  	s30 =	sshll.u32 s24, $0x7;
	s24 =	sshrl.u32 s24, $0xD;
	s28 =	sand.u32 $0x7FF00000, s22  }
0x37: {  	s31 =	sshll.u32 s24, $0x14;
	s23 =	sadd.s32 s30, s28  }
0x38: {  	s25 =	sand.u32 $0x3F80, s20;
	s24 =	sshll.u32 s24, $0x6;
	s23 =	ssub.s32 s23, s31  }
0x39: {  	s18 =	sadd.s32 $0x100, s18;
	s26 =	sshll.u32 s25, $0x7;
	s23 =	sor.u32 s24, s23  }
0x3a: {  	s25 =	sshrl.u32 s25, $0xD;
	[sflag:s14] =	ssyncset.done $0x0;
	s23 =	sshrl.u32 s23, $0x3  }
0x3b: {  	[sflag:s14] =	ssyncadd.s32 $0xFFFFE000;
	s22 =	sadd.s32 $0x2000, s22;
	s23 =	sadd.s32 s4, s23  }
0x3c: {  	[hbm4b:s23+s15] =	stream.strided.scatter [tilespmem:s12], [sflag:$0x3], $0x2000, s11, s15, $0x38;
	[tilespmem:$0x7200] =	vst v63  }
0x3d: {  	s29 =	sshll.u32 s25, $0x14;
	s22 =	sand.u32 $0x7FF00000, s22;
	_ =	swait.ge [sflag:s10], $0x2000  }
0x3e: {  	s30 =	sshll.u32 s25, $0x6;
	s22 =	sadd.s32 s26, s22;
	[sflag:s10] =	ssyncset.done $0x0  }
0x3f: {  	s31 =	sadd.s32 $0xFFFFFF80, s18;
	s22 =	ssub.s32 s22, s29;
	[sflag:s10] =	ssyncadd.s32 $0xFFFFE000  }
0x40: {  	[tilespmem:s12], [sflag:$0x1] =	stream.indirect.gather [hbm4b:s3+s11], $0x40, s31, s11, $0xb8;
	[tilespmem:$0x7200] =	vst v63  }
0x41: {  	p0 =	sne.s32 s19, $0xC0000;
	s22 =	sor.u32 s30, s22;
	_ =	swait.ge [sflag:s16], $0x2000  }
.Ltmp0:
0x42: {  	s22 =	sshrl.u32 s22, $0x3;
	[sflag:s16] =	ssyncset.done $0x0;
	(pc) =	sbr.rel @p0 .LBB2_2-.Ltmp0, $4  }
0x43: {  	s22 =	sadd.s32 s4, s22;
	[sflag:s16] =	ssyncadd.s32 $0xFFFFE000  }
0x44: {  	[hbm4b:s22+s15] =	stream.strided.scatter [tilespmem:s13], [sflag:$0x3], $0x2000, s11, s15, $0x38;
	[tilespmem:$0x7200] =	vst v63  }
0x45: {  	_ =	swait.ge [sflag:s10], $0x2000  }
0x46: {  	s19 =	sadd.s32 $0x4000, s19;
	s21 =	smov.u32 s18;
	[sflag:s10] =	ssyncset.done $0x0  }
0x47: {  	[sflag:s10] =	ssyncadd.s32 $0xFFFFE000  }
0x48: {  	[tilespmem:s13], [sflag:$0x2] =	stream.indirect.gather [hbm4b:s3+s11], $0x40, s21, s11, $0xb8;
	[tilespmem:$0x7200] =	vst v63  }
0x49: {  	_ =	swait.ge [sflag:s14], $0x2000  }
0x4a: {  	[sflag:s14] =	ssyncset.done $0x0  }
0x4b: {  	[sflag:s14] =	ssyncadd.s32 $0xFFFFE000  }
0x4c: {  	[hbm4b:s7+s15] =	stream.strided.scatter [tilespmem:s12], [sflag:$0x3], $0x2000, s11, s15, $0x38;
	[tilespmem:$0x7200] =	vst v63  }
0x4d: {  	_ =	swait.ge [sflag:s10], $0x2000  }
0x4e: {  	[sflag:s10] =	ssyncset.done $0x0  }
0x4f: {  	[sflag:s10] =	ssyncadd.s32 $0xFFFFE000  }
0x50: {  	s17 =	sadd.s32 $0x1, s17;
	_ =	swait.ge [sflag:s16], $0x2000  }
0x51: {  	p0 =	sne.s32 s17, s6;
	[sflag:s16] =	ssyncset.done $0x0  }
.Ltmp1:
0x52: {  	[sflag:s16] =	ssyncadd.s32 $0xFFFFE000;
	(pc) =	sbr.rel @p0 .LBB2_1-.Ltmp1, $4  }
0x53: {  	[hbm4b:s8+s15] =	stream.strided.scatter [tilespmem:s13], [sflag:$0x3], $0x2000, s11, s15, $0x38;
	[tilespmem:$0x7200] =	vst v63  }
0x54: {  	_ =	swait.ge [sflag:s10], $0x2000  }
0x55: {  	[sflag:s10] =	ssyncset.done $0x0  }
0x56: {  	[sflag:s10] =	ssyncadd.s32 $0xFFFFE000  }
0x57: {  	_ =	sfence.sel $0x180000  }
0x58: {  	[bflag:$0x0] =	sbarrier.arrive $0xFFFF  }
0x59: {  	p0 =	sne.s32 s0, $0x0;
	_ =	strace $0x9000004A  }
0x5a: {  	s0 =	sadd.s32 @!p0 $0x100000, s1;
	[bflag:$0x2] =	sbarrier.arrive $0xFFFF  }
0x5b: {  	[sflag:s0] =	ssyncadd.tile.s32 @!p0 $0x1;
	_ =	shalt  }
.Lfunc_end2:
_tile_overlayer_lowered:
.L_overlay_start_2:
0x5c: {  	(tag) =	ssettag $0x2  }
0x5d: {  	s0 =	rddreg [dreg:$0x0];
	s2 =	stileid.u32  }
0x5e: {  	s1 =	rddreg [dreg:$0x1];
	p0 =	sne.s32 s2, $0x0  }
0x5f: {  	s3 =	rddreg [dreg:$0x2];
	[bflag:$0x3] =	sbarrier.arrive $0xFFFF;
	s2 =	simm.s32 @!p0 $0x1C03  }
0x60: {  	[timem:s3], [sflag:s2] =	dma.local @!p0 [hbm:s0], s1  }
0x61: {  	s0 =	simm.s32 @!p0 $0x3  }
0x62: {  	_ =	swait.ge @!p0 [sflag:s0], s1  }
0x63: {  	s1 =	ssub.s32 @!p0 $0x0, s1;
	[sflag:s0] =	ssyncset.done @!p0 $0x0  }
0x64: {  	[sflag:s0] =	ssyncadd.s32 @!p0 s1  }
0x65: {  	[bflag:$0x3] =	sbarrier.arrive $0xFFFF  }
0x66: {  	_ =	shalt  }

</sc_bundles>
